<compile_context>
chip_gen: v7x
topology: tpu7x:2x2x1
jax: 0.10.2.dev20260603
libtpu: 0.0.44.dev20260713+nightly
codegen_flags: <defaults>
</compile_context>

<pallas_src>
import functools

import jax
import jax.numpy as jnp
from jax import lax
from jax.experimental import pallas as pl
from jax.experimental.pallas import tpu as pltpu
from jax.experimental.pallas import tpu_sc as plsc

NC = 2
NS = 16
LANES = 128


def _make_degree_kernel(num_nodes, hist_n, chunks_per_worker):
    mesh = plsc.VectorSubcoreMesh(
        core_axis_name="c", subcore_axis_name="s",
        num_cores=NC, num_subcores=NS)

    zslice = hist_n // NS

    @functools.partial(
        pl.kernel,
        mesh=mesh,
        out_type=jax.ShapeDtypeStruct((NC, hist_n), jnp.float32),
        scratch_types=[
            pltpu.VMEM((chunks_per_worker, LANES), jnp.int32),
            pltpu.VMEM((LANES,), jnp.float32),
            pltpu.VMEM((zslice,), jnp.float32),
            pltpu.VMEM_SHARED((hist_n,), jnp.float32),
        ],
    )
    def degree_kernel(tgt_hbm, out_hbm, tgt_v, ones_v, zer_v, hist_sh):
        c = lax.axis_index("c")
        s = lax.axis_index("s")
        wid = c * NS + s

        def fill(i, _):
            ones_v[pl.ds(i * 16, 16)] = jnp.ones((16,), jnp.float32)
            return 0
        lax.fori_loop(0, LANES // 16, fill, 0)

        def zfill(i, _):
            zer_v[pl.ds(i * 16, 16)] = jnp.zeros((16,), jnp.float32)
            return 0
        lax.fori_loop(0, zslice // 16, zfill, 0)
        pltpu.sync_copy(zer_v, hist_sh.at[pl.ds(s * zslice, zslice)])

        pltpu.sync_copy(tgt_hbm.at[wid], tgt_v)
        plsc.subcore_barrier()

        def body(j, _):
            pltpu.sync_copy(ones_v, hist_sh.at[tgt_v.at[j]], add=True)
            return 0
        lax.fori_loop(0, chunks_per_worker, body, 0)

        plsc.subcore_barrier()

        @pl.when(s == 0)
        def _():
            pltpu.sync_copy(hist_sh, out_hbm.at[c])

    return degree_kernel


def _make_aggregate_kernel(num_nodes, dout, chunks_per_tile):
    half = num_nodes // NC
    acc_rows = -(-(half + NS) // (NS * 8)) * (NS * 8)
    zrows = acc_rows // NS

    mesh = plsc.VectorSubcoreMesh(
        core_axis_name="c", subcore_axis_name="s",
        num_cores=NC, num_subcores=NS)

    G = 16
    ngroups = chunks_per_tile // G
    ge = G * LANES
    CH = LANES
    cap = ge + CH
    crows = -(-cap // CH)

    last_rows = half - (NS - 1) * zrows
    assert 0 < last_rows <= zrows and last_rows % 8 == 0

    @functools.partial(
        pl.kernel,
        mesh=mesh,
        out_type=jax.ShapeDtypeStruct((num_nodes, dout), jnp.float32),
        compiler_params=pltpu.CompilerParams(needs_layout_passes=False),
        scratch_types=[
            pltpu.VMEM((2, G, LANES), jnp.int32),
            pltpu.VMEM((2, G, LANES), jnp.int32),
            pltpu.VMEM((cap,), jnp.int32),
            pltpu.VMEM((cap,), jnp.int32),
            pltpu.VMEM((crows, CH), jnp.int32),
            [pltpu.VMEM((CH, dout), jnp.float32)] * 2,
            [pltpu.SemaphoreType.DMA] * 2,
            pltpu.SemaphoreType.DMA,
            pltpu.VMEM_SHARED((acc_rows, dout), jnp.float32),
        ],
    )
    def agg_kernel(hn_hbm, src_hbm, tgt_hbm, out_hbm,
                   src_v, tgt_v, csrc, cstmp, cscat, bufs,
                   sems_g, sem_i, acc_sh):
        c = lax.axis_index("c")
        s = lax.axis_index("s")
        base = c * half
        dummy_base = half + s

        def zfill(i, _):
            def zrow(k, _):
                bufs[0][i, pl.ds(k * 16, 16)] = jnp.zeros((16,), jnp.float32)
                return 0
            lax.fori_loop(0, dout // 16, zrow, 0)
            return 0
        lax.fori_loop(0, CH, zfill, 0)
        for r in range(0, zrows, CH):
            sz = min(CH, zrows - r)
            pltpu.sync_copy(bufs[0].at[pl.ds(0, sz)],
                            acc_sh.at[pl.ds(s * zrows + r, sz)])

        def idx_start(g, slot):
            off = pl.multiple_of(g * G, 8)
            pltpu.make_async_copy(
                src_hbm.at[s, pl.ds(off, G)], src_v.at[slot], sem_i).start()
            pltpu.make_async_copy(
                tgt_hbm.at[s, pl.ds(off, G)], tgt_v.at[slot], sem_i).start()

        def idx_wait():
            pltpu.make_async_copy(
                src_hbm.at[s, pl.ds(0, G)], src_v.at[0], sem_i).wait()
            pltpu.make_async_copy(
                tgt_hbm.at[s, pl.ds(0, G)], tgt_v.at[0], sem_i).wait()

        def gather(j, q):
            pltpu.make_async_copy(
                hn_hbm.at[csrc.at[pl.ds(j * CH, CH)]], bufs[q], sems_g[q]
            ).start()

        def gwait(q):
            pltpu.make_async_copy(
                hn_hbm.at[csrc.at[pl.ds(0, CH)]], bufs[q], sems_g[q]).wait()

        def scat_add(j, q):
            pltpu.sync_copy(bufs[q], acc_sh.at[cscat.at[j]], add=True)

        idx_start(0, 0)
        idx_wait()
        plsc.subcore_barrier()

        true16 = jnp.ones((16,), jnp.bool_)
        zero16 = jnp.zeros((16,), jnp.int32)

        def group(g, _):
            slot = g & 1

            @pl.when(g + 1 < ngroups)
            def _():
                idx_start(g + 1, 1 - slot)

            def comp(i, p_v):
                for u in range(4):
                    v = i * 4 + u
                    j = v >> 3
                    off = (v & 7) * 16
                    t = tgt_v[slot, j, pl.ds(off, 16)]
                    sv = src_v[slot, j, pl.ds(off, 16)]
                    m = (t >= base) & (t < base + half)
                    pos = p_v + plsc.cumsum(m.astype(jnp.int32)) - 1
                    plsc.store_scatter(cstmp, [pos], t - base, mask=m)
                    plsc.store_scatter(csrc, [pos], sv, mask=m)
                    p_v = p_v + plsc.all_reduce_population_count(m)
                return p_v
            p_v = lax.fori_loop(0, ge // 64, comp, jnp.zeros((16,), jnp.int32))
            p = jnp.sum(p_v) >> 4

            padv = zero16 + dummy_base
            iota16 = jax.lax.iota(jnp.int32, 16)
            for q in range(CH // 16):
                padpos = p + q * 16 + iota16
                plsc.store_scatter(cstmp, [padpos], padv, mask=true16)
                plsc.store_scatter(csrc, [padpos], zero16, mask=true16)
            nch = (p + CH - 1) // CH

            @pl.when(nch > 0)
            def _():
                gather(0, 0)

            @pl.when(nch > 1)
            def _():
                gather(1, 1)

            def ccopy(jr, _):
                for k in range(CH // 16):
                    cscat[jr, pl.ds(k * 16, 16)] = (
                        cstmp[pl.ds(jr * CH + k * 16, 16)])
                return 0
            lax.fori_loop(0, nch, ccopy, 0)

            def inner(i, _):
                even = (i & 1) == 0

                @pl.when(even)
                def _():
                    gwait(0)
                    scat_add(i, 0)

                    @pl.when(i + 2 < nch)
                    def _():
                        gather(i + 2, 0)

                @pl.when(jnp.logical_not(even))
                def _():
                    gwait(1)
                    scat_add(i, 1)

                    @pl.when(i + 2 < nch)
                    def _():
                        gather(i + 2, 1)
                return 0
            lax.fori_loop(0, nch, inner, 0)

            @pl.when(g + 1 < ngroups)
            def _():
                idx_wait()
            return 0
        lax.fori_loop(0, ngroups, group, 0)

        plsc.subcore_barrier()

        @pl.when(s < NS - 1)
        def _():
            pltpu.sync_copy(
                acc_sh.at[pl.ds(s * zrows, zrows)],
                out_hbm.at[pl.ds(c * half + s * zrows, zrows)])

        @pl.when(s == NS - 1)
        def _():
            off = (NS - 1) * zrows
            pltpu.sync_copy(
                acc_sh.at[pl.ds(off, last_rows)],
                out_hbm.at[pl.ds(c * half + off, last_rows)])

    return agg_kernel


def _linear_body(x_ref, wt_ref, b_ref, deg_ref, hn_ref):
    x = x_ref[...]
    h = jnp.dot(x, wt_ref[...], preferred_element_type=jnp.float32) + b_ref[...]
    hn_ref[...] = h * lax.rsqrt(deg_ref[...])


def _tc_linear(x, wt, b2, deg_col, rb):
    n = x.shape[0]
    din = x.shape[1]
    dout = wt.shape[1]
    grid = n // rb
    return pl.pallas_call(
        _linear_body,
        grid=(grid,),
        in_specs=[
            pl.BlockSpec((rb, din), lambda i: (i, 0)),
            pl.BlockSpec((din, dout), lambda i: (0, 0)),
            pl.BlockSpec((1, dout), lambda i: (0, 0)),
            pl.BlockSpec((rb, 1), lambda i: (i, 0)),
        ],
        out_specs=pl.BlockSpec((rb, dout), lambda i: (i, 0)),
        out_shape=jax.ShapeDtypeStruct((n, dout), jnp.float32),
    )(x, wt, b2, deg_col)


def _finish_body(hn_ref, agg_ref, deg_ref, g_ref, be_ref, o_ref):
    deg = deg_ref[...]
    dis = lax.rsqrt(deg)
    h = hn_ref[...] * jnp.sqrt(deg)
    y = h + dis * (agg_ref[...] + h)
    mean = jnp.mean(y, axis=1, keepdims=True)
    yc = y - mean
    var = jnp.mean(yc * yc, axis=1, keepdims=True)
    o = yc * lax.rsqrt(var + 1e-5) * g_ref[...] + be_ref[...]
    o_ref[...] = jnp.maximum(o, 0.0)


def _tc_finish(h, agg, deg_col, g2, be2, rb):
    n, dout = h.shape
    grid = n // rb
    return pl.pallas_call(
        _finish_body,
        grid=(grid,),
        in_specs=[
            pl.BlockSpec((rb, dout), lambda i: (i, 0)),
            pl.BlockSpec((rb, dout), lambda i: (i, 0)),
            pl.BlockSpec((rb, 1), lambda i: (i, 0)),
            pl.BlockSpec((1, dout), lambda i: (0, 0)),
            pl.BlockSpec((1, dout), lambda i: (0, 0)),
        ],
        out_specs=pl.BlockSpec((rb, dout), lambda i: (i, 0)),
        out_shape=jax.ShapeDtypeStruct((n, dout), jnp.float32),
    )(h, agg, deg_col, g2, be2)


def kernel(node_features, edge_index, W, b, gamma, beta):
    bs, n, din = node_features.shape
    dout = W.shape[0]
    nn = bs * n
    e = edge_index.shape[2]
    be = bs * e

    ei = edge_index.astype(jnp.int32)
    offs = (jnp.arange(bs, dtype=jnp.int32) * n)[:, None]
    src = (ei[:, 0, :] + offs).reshape(-1)
    tgt = (ei[:, 1, :] + offs).reshape(-1)
    x = node_features.reshape(nn, din).astype(jnp.float32)

    cpw = -(-be // (NC * NS * LANES))
    cpw = -(-cpw // 8) * 8
    be_pad = NC * NS * cpw * LANES
    cpt = be_pad // (NS * LANES)
    pad = be_pad - be
    srcp = jnp.concatenate([src, jnp.zeros((pad,), jnp.int32)])
    tgtp = jnp.concatenate([tgt, jnp.full((pad,), nn, jnp.int32)])

    hist_n = ((nn + 1 + 255) // 256) * 256

    degree_kernel = _make_degree_kernel(nn, hist_n, cpw)
    hist = degree_kernel(tgtp.reshape(NC * NS, cpw, LANES))
    deg_col = (hist[0, :nn] + hist[1, :nn] + 1.0).reshape(nn, 1)

    rb = 1000
    hn = _tc_linear(x, W.T, b.reshape(1, dout), deg_col, rb)

    agg_kernel = _make_aggregate_kernel(nn, dout, cpt)
    agg = agg_kernel(hn,
                     srcp.reshape(NS, cpt, LANES),
                     tgtp.reshape(NS, cpt, LANES))

    out = _tc_finish(hn, agg, deg_col,
                     gamma.reshape(1, dout), beta.reshape(1, dout), rb)
    return out.reshape(bs, n, dout)

# --- scband reference (transcript-rebuilt; emitter-appended) ---
"""Pipeline reference for scband-gcnlayer-69492570849698 (READ-ONLY COPY).

The authoritative reference and input builder live on the scoring server;
editing this copy changes nothing except your own understanding.
"""

import jax, jax.numpy as jnp
import numpy as np

B, N, DIN, DOUT, E = 2, 10000, 128, 128, 160000


def setup_inputs(seed: int = 0) -> dict:
    key = jax.random.key(seed)
    k1, k2, k3, k4, k5, k6 = jax.random.split(key, 6)
    node_features = jax.random.normal(k1, (B, N, DIN), dtype=jnp.float32)
    edge_index = jax.random.randint(k2, (B, 2, E), 0, N, dtype=jnp.int64)
    # Linear params (torch nn.Linear: y = x @ W.T + b)
    lim = 1.0 / np.sqrt(DIN)
    W = jax.random.uniform(k3, (DOUT, DIN), minval=-lim, maxval=lim, dtype=jnp.float32)
    b = jax.random.uniform(k4, (DOUT,), minval=-lim, maxval=lim, dtype=jnp.float32)
    # LayerNorm params
    gamma = jnp.ones((DOUT,), dtype=jnp.float32)
    beta = jnp.zeros((DOUT,), dtype=jnp.float32)
    return {"node_features": node_features, "edge_index": edge_index, "W": W, "b": b, "gamma": gamma, "beta": beta}


def reference(node_features, edge_index, W, b, gamma, beta):
    # node_mask is None in this configuration -> all nodes valid (mask of ones);
    # edge_mask is None -> all edges valid. Dropout p=0 -> identity.
    Bs, Ns, _ = node_features.shape
    h = node_features.astype(jnp.float32) @ W.T + b  # [B, N, DOUT]
    dout = h.shape[-1]
    # Sparse batching: with full mask, sparse index of node n in graph b is b*N + n
    offsets = (jnp.arange(Bs, dtype=edge_index.dtype) * Ns)[:, None]  # [B,1]
    src = (edge_index[:, 0, :] + offsets).reshape(-1)  # [B*E]
    tgt = (edge_index[:, 1, :] + offsets).reshape(-1)  # [B*E]
    sparse_h = h.reshape(Bs * Ns, dout)
    # Degree over target nodes (+1 self loop)
    degree = jnp.zeros((Bs * Ns,), dtype=jnp.float32).at[tgt].add(1.0) + 1.0
    deg_inv_sqrt = degree ** -0.5
    # Gather source features and normalize D^{-1/2} A D^{-1/2}
    src_features = sparse_h[src]
    normalization = deg_inv_sqrt[src] * deg_inv_sqrt[tgt]
    msgs = src_features * normalization[:, None]
    aggregated = jnp.zeros_like(sparse_h).at[tgt].add(msgs)
    aggregated = aggregated + sparse_h * deg_inv_sqrt[:, None]
    h = h + aggregated.reshape(Bs, Ns, dout)
    # LayerNorm (biased variance, eps=1e-5)
    mean = h.mean(axis=-1, keepdims=True)
    var = h.var(axis=-1, keepdims=True)
    h = (h - mean) / jnp.sqrt(var + 1e-5) * gamma + beta
    h = jax.nn.relu(h)
    return h

if __name__ == "__main__":
    import jax
    _d = setup_inputs()
    print(jax.jit(kernel)(*tuple(_d.values())))

</pallas_src>

<mosaic_0001>
#map = affine_map<(d0, d1) -> (0, 0, 0)>
#map1 = affine_map<(d0, d1) -> (0, 0)>
module attributes {stable_mosaic.version = 14 : i64} {
  func.func @degree_kernel(%arg0: i32, %arg1: i32, %arg2: memref<32x80x128xi32, #tpu.memory_space<hbm>>, %arg3: memref<2x20224xf32, #tpu.memory_space<hbm>>, %arg4: memref<80x128xi32, #tpu.memory_space<vmem>>, %arg5: memref<128xf32, #tpu.memory_space<vmem>>, %arg6: memref<1264xf32, #tpu.memory_space<vmem>>, %arg7: memref<20224xf32, #tpu.memory_space<vmem_shared>>) attributes {dimension_semantics = [#tpu.dimension_semantics<core_parallel>, #tpu.dimension_semantics<subcore_parallel>], iteration_bounds = array<i64: 2, 16>, scalar_prefetch = 0 : i64, scratch_operands = 4 : i64, tpu.core_type = #tpu.core_type<sc_vector_subcore>, window_params = [{transform_indices = #map}, {transform_indices = #map1}]} {
    %mul3A = arith.constant 16 : i32
    %mul3A_0 = arith.muli %arg0, %mul3A : i32
    %add3A = arith.addi %mul3A_0, %arg1 : i32
    %scan3A = arith.constant 0 : i32
    %scan3A_1 = arith.constant 0 : i32
    %scan3A_2 = arith.constant 8 : i32
    %scan3A_3 = arith.addi %scan3A_1, %scan3A_2 : i32
    %scan3A_4 = arith.constant 1 : i32
    %scan3A_5 = scf.for %scan3A_26 = %scan3A_1 to %scan3A_3 step %scan3A_4 iter_args(%scan3A_27 = %scan3A) -> (i32)  : i32 {
      %broadcast_in_dim3A = arith.constant 1.000000e+00 : f32
      %broadcast_in_dim3A_28 = vector.broadcast %broadcast_in_dim3A : f32 to vector<16xf32>
      %mul3A_29 = arith.constant 16 : i32
      %mul3A_30 = arith.muli %scan3A_26, %mul3A_29 : i32
      %swap3A = arith.index_cast %mul3A_30 : i32 to index
      %swap3A_31 = tpu.vector_load %arg5[%swap3A] {strides = array<i32>} : memref<128xf32, #tpu.memory_space<vmem>>, vector<16xf32>,
      %swap3A_32 = vector.shape_cast %swap3A_31 : vector<16xf32> to vector<16xf32>
      %swap3A_33 = vector.shape_cast %broadcast_in_dim3A_28 : vector<16xf32> to vector<16xf32>
      tpu.vector_store %arg5[%swap3A], %swap3A_33 {strides = array<i32>} : memref<128xf32, #tpu.memory_space<vmem>>, vector<16xf32>,
      %scan3A_34 = arith.constant 0 : i32
      scf.yield %scan3A_34 : i32
    }
    %scan3A_6 = arith.constant 8 : i32
    %scan3A_7 = arith.constant 0 : i32
    %scan3A_8 = arith.constant 0 : i32
    %scan3A_9 = arith.constant 79 : i32
    %scan3A_10 = arith.addi %scan3A_8, %scan3A_9 : i32
    %scan3A_11 = arith.constant 1 : i32
    %scan3A_12 = scf.for %scan3A_26 = %scan3A_8 to %scan3A_10 step %scan3A_11 iter_args(%scan3A_27 = %scan3A_7) -> (i32)  : i32 {
      %broadcast_in_dim3A = arith.constant 0.000000e+00 : f32
      %broadcast_in_dim3A_28 = vector.broadcast %broadcast_in_dim3A : f32 to vector<16xf32>
      %mul3A_29 = arith.constant 16 : i32
      %mul3A_30 = arith.muli %scan3A_26, %mul3A_29 : i32
      %swap3A = arith.index_cast %mul3A_30 : i32 to index
      %swap3A_31 = tpu.vector_load %arg6[%swap3A] {strides = array<i32>} : memref<1264xf32, #tpu.memory_space<vmem>>, vector<16xf32>,
      %swap3A_32 = vector.shape_cast %swap3A_31 : vector<16xf32> to vector<16xf32>
      %swap3A_33 = vector.shape_cast %broadcast_in_dim3A_28 : vector<16xf32> to vector<16xf32>
      tpu.vector_store %arg6[%swap3A], %swap3A_33 {strides = array<i32>} : memref<1264xf32, #tpu.memory_space<vmem>>, vector<16xf32>,
      %scan3A_34 = arith.constant 0 : i32
      scf.yield %scan3A_34 : i32
    }
    %scan3A_13 = arith.constant 79 : i32
    %mul3A_14 = arith.constant 1264 : i32
    %mul3A_15 = arith.muli %arg1, %mul3A_14 : i32
    "tpu.region"() ({
      %run_scoped3A = tpu.sem_alloc : memref<!tpu.dma_semaphore, #tpu.memory_space<semaphore_mem>>
      %dma_start3A = tpu.memref_slice %arg7[%mul3A_15] : memref<20224xf32, #tpu.memory_space<vmem_shared>> -> memref<1264xf32, #tpu.memory_space<vmem_shared>>
      %dma_start3A_26 = tpu.memref_slice %arg7[%mul3A_15] : memref<20224xf32, #tpu.memory_space<vmem_shared>> -> memref<1264xf32, #tpu.memory_space<vmem_shared>>
      tpu.enqueue_dma source(%arg6 : memref<1264xf32, #tpu.memory_space<vmem>>) target(%dma_start3A_26 : memref<1264xf32, #tpu.memory_space<vmem_shared>>) target_semaphore(%run_scoped3A : memref<!tpu.dma_semaphore, #tpu.memory_space<semaphore_mem>>)
      %dma_wait3A = tpu.memref_slice %arg7[%mul3A_15] : memref<20224xf32, #tpu.memory_space<vmem_shared>> -> memref<1264xf32, #tpu.memory_space<vmem_shared>>
      %dma_wait3A_27 = tpu.memref_slice %arg7[%mul3A_15] : memref<20224xf32, #tpu.memory_space<vmem_shared>> -> memref<1264xf32, #tpu.memory_space<vmem_shared>>
      tpu.wait_dma2 semaphore(%run_scoped3A : memref<!tpu.dma_semaphore, #tpu.memory_space<semaphore_mem>>) src(%arg6 : memref<1264xf32, #tpu.memory_space<vmem>>) dst(%dma_wait3A_27 : memref<1264xf32, #tpu.memory_space<vmem_shared>>)
      tpu.yield
    }) : () -> ()
    "tpu.region"() ({
      %run_scoped3A = tpu.sem_alloc : memref<!tpu.dma_semaphore, #tpu.memory_space<semaphore_mem>>
      %dma_start3A = arith.constant 0 : i32
      %dma_start3A_26 = arith.constant 0 : i32
      %dma_start3A_27 = tpu.memref_slice %arg2[%add3A, %dma_start3A, %dma_start3A_26] : memref<32x80x128xi32, #tpu.memory_space<hbm>> -> memref<1x80x128xi32, #tpu.memory_space<hbm>>
      %dma_start3A_28 = tpu.memref_squeeze %dma_start3A_27 : memref<1x80x128xi32, #tpu.memory_space<hbm>> -> memref<80x128xi32, #tpu.memory_space<hbm>>
      %dma_start3A_29 = arith.constant 0 : i32
      %dma_start3A_30 = arith.constant 0 : i32
      %dma_start3A_31 = tpu.memref_slice %arg2[%add3A, %dma_start3A_29, %dma_start3A_30] : memref<32x80x128xi32, #tpu.memory_space<hbm>> -> memref<1x80x128xi32, #tpu.memory_space<hbm>>
      %dma_start3A_32 = tpu.memref_squeeze %dma_start3A_31 : memref<1x80x128xi32, #tpu.memory_space<hbm>> -> memref<80x128xi32, #tpu.memory_space<hbm>>
      tpu.enqueue_dma source(%dma_start3A_32 : memref<80x128xi32, #tpu.memory_space<hbm>>) target(%arg4 : memref<80x128xi32, #tpu.memory_space<vmem>>) target_semaphore(%run_scoped3A : memref<!tpu.dma_semaphore, #tpu.memory_space<semaphore_mem>>)
      %dma_wait3A = arith.constant 0 : i32
      %dma_wait3A_33 = arith.constant 0 : i32
      %dma_wait3A_34 = tpu.memref_slice %arg2[%add3A, %dma_wait3A, %dma_wait3A_33] : memref<32x80x128xi32, #tpu.memory_space<hbm>> -> memref<1x80x128xi32, #tpu.memory_space<hbm>>
      %dma_wait3A_35 = tpu.memref_squeeze %dma_wait3A_34 : memref<1x80x128xi32, #tpu.memory_space<hbm>> -> memref<80x128xi32, #tpu.memory_space<hbm>>
      %dma_wait3A_36 = arith.constant 0 : i32
      %dma_wait3A_37 = arith.constant 0 : i32
      %dma_wait3A_38 = tpu.memref_slice %arg2[%add3A, %dma_wait3A_36, %dma_wait3A_37] : memref<32x80x128xi32, #tpu.memory_space<hbm>> -> memref<1x80x128xi32, #tpu.memory_space<hbm>>
      %dma_wait3A_39 = tpu.memref_squeeze %dma_wait3A_38 : memref<1x80x128xi32, #tpu.memory_space<hbm>> -> memref<80x128xi32, #tpu.memory_space<hbm>>
      tpu.wait_dma2 semaphore(%run_scoped3A : memref<!tpu.dma_semaphore, #tpu.memory_space<semaphore_mem>>) src(%dma_wait3A_39 : memref<80x128xi32, #tpu.memory_space<hbm>>) dst(%arg4 : memref<80x128xi32, #tpu.memory_space<vmem>>)
      tpu.yield
    }) : () -> ()
    %barrier3A = arith.constant 0 : index
    tpu.barrier barrier_id(%barrier3A)
    %scan3A_16 = arith.constant 0 : i32
    %scan3A_17 = arith.constant 0 : i32
    %scan3A_18 = arith.constant 80 : i32
    %scan3A_19 = arith.addi %scan3A_17, %scan3A_18 : i32
    %scan3A_20 = arith.constant 1 : i32
    %scan3A_21 = scf.for %scan3A_26 = %scan3A_17 to %scan3A_19 step %scan3A_20 iter_args(%scan3A_27 = %scan3A_16) -> (i32)  : i32 {
      "tpu.region"() ({
        %run_scoped3A = tpu.sem_alloc : memref<!tpu.dma_semaphore, #tpu.memory_space<semaphore_mem>>
        %dma_start3A = arith.constant 0 : i32
        %dma_start3A_29 = tpu.memref_slice %arg4[%scan3A_26, %dma_start3A] : memref<80x128xi32, #tpu.memory_space<vmem>> -> memref<1x128xi32, #tpu.memory_space<vmem>>
        %dma_start3A_30 = tpu.memref_squeeze %dma_start3A_29 : memref<1x128xi32, #tpu.memory_space<vmem>> -> memref<128xi32, #tpu.memory_space<vmem>>
        %dma_start3A_31 = arith.constant 0 : i32
        %dma_start3A_32 = tpu.memref_slice %arg7[%dma_start3A_31] : memref<20224xf32, #tpu.memory_space<vmem_shared>> -> memref<20224xf32, #tpu.memory_space<vmem_shared>>
        tpu.enqueue_indirect_dma source(%arg5 : memref<128xf32, #tpu.memory_space<vmem>>) target(%dma_start3A_32 : memref<20224xf32, #tpu.memory_space<vmem_shared>>) offsets(%dma_start3A_30 : memref<128xi32, #tpu.memory_space<vmem>>) semaphore(%run_scoped3A : memref<!tpu.dma_semaphore, #tpu.memory_space<semaphore_mem>>) {add = true}
        %dma_wait3A = arith.constant 0 : i32
        %dma_wait3A_33 = tpu.memref_slice %arg4[%scan3A_26, %dma_wait3A] : memref<80x128xi32, #tpu.memory_space<vmem>> -> memref<1x128xi32, #tpu.memory_space<vmem>>
        %dma_wait3A_34 = tpu.memref_squeeze %dma_wait3A_33 : memref<1x128xi32, #tpu.memory_space<vmem>> -> memref<128xi32, #tpu.memory_space<vmem>>
        %dma_wait3A_35 = arith.constant 0 : i32
        %dma_wait3A_36 = tpu.memref_slice %arg7[%dma_wait3A_35] : memref<20224xf32, #tpu.memory_space<vmem_shared>> -> memref<20224xf32, #tpu.memory_space<vmem_shared>>
        tpu.wait_indirect_dma semaphore(%run_scoped3A : memref<!tpu.dma_semaphore, #tpu.memory_space<semaphore_mem>>) src(%arg5 : memref<128xf32, #tpu.memory_space<vmem>>) dst(%dma_wait3A_36 : memref<20224xf32, #tpu.memory_space<vmem_shared>>)
        tpu.yield
      }) : () -> ()
      %scan3A_28 = arith.constant 0 : i32
      scf.yield %scan3A_28 : i32
    }
    %scan3A_22 = arith.constant 80 : i32
    %barrier3A_23 = arith.constant 0 : index
    tpu.barrier barrier_id(%barrier3A_23)
    %eq3A = arith.constant 0 : i32
    %eq3A_24 = arith.cmpi eq, %arg1, %eq3A : i32
    %convert_element_type3A = arith.extui %eq3A_24 : i1 to i32
    %cond3A = arith.constant 0 : i32
    %cond3A_25 = arith.cmpi ne, %convert_element_type3A, %cond3A : i32
    scf.if %cond3A_25 {
      "tpu.region"() ({
        %run_scoped3A = tpu.sem_alloc : memref<!tpu.dma_semaphore, #tpu.memory_space<semaphore_mem>>
        %dma_start3A = arith.constant 0 : i32
        %dma_start3A_26 = tpu.memref_slice %arg3[%arg0, %dma_start3A] : memref<2x20224xf32, #tpu.memory_space<hbm>> -> memref<1x20224xf32, #tpu.memory_space<hbm>>
        %dma_start3A_27 = tpu.memref_squeeze %dma_start3A_26 : memref<1x20224xf32, #tpu.memory_space<hbm>> -> memref<20224xf32, #tpu.memory_space<hbm>>
        tpu.enqueue_dma source(%arg7 : memref<20224xf32, #tpu.memory_space<vmem_shared>>) target(%dma_start3A_27 : memref<20224xf32, #tpu.memory_space<hbm>>) target_semaphore(%run_scoped3A : memref<!tpu.dma_semaphore, #tpu.memory_space<semaphore_mem>>)
        %dma_wait3A = arith.constant 0 : i32
        %dma_wait3A_28 = tpu.memref_slice %arg3[%arg0, %dma_wait3A] : memref<2x20224xf32, #tpu.memory_space<hbm>> -> memref<1x20224xf32, #tpu.memory_space<hbm>>
        %dma_wait3A_29 = tpu.memref_squeeze %dma_wait3A_28 : memref<1x20224xf32, #tpu.memory_space<hbm>> -> memref<20224xf32, #tpu.memory_space<hbm>>
        tpu.wait_dma2 semaphore(%run_scoped3A : memref<!tpu.dma_semaphore, #tpu.memory_space<semaphore_mem>>) src(%arg7 : memref<20224xf32, #tpu.memory_space<vmem_shared>>) dst(%dma_wait3A_29 : memref<20224xf32, #tpu.memory_space<hbm>>)
        tpu.yield
      }) : () -> ()
    } else {
    }
    return
  }
}

#map = affine_map<(d0, d1) -> (0, 0)>
#map1 = affine_map<(d0, d1) -> (0, 0, 0)>
module attributes {stable_mosaic.version = 14 : i64} {
  func.func @agg_kernel(%arg0: i32, %arg1: i32, %arg2: memref<20000x128xf32, #tpu.memory_space<hbm>>, %arg3: memref<16x160x128xi32, #tpu.memory_space<hbm>>, %arg4: memref<16x160x128xi32, #tpu.memory_space<hbm>>, %arg5: memref<20000x128xf32, #tpu.memory_space<hbm>>, %arg6: memref<2x16x128xi32, #tpu.memory_space<vmem>>, %arg7: memref<2x16x128xi32, #tpu.memory_space<vmem>>, %arg8: memref<2176xi32, #tpu.memory_space<vmem>>, %arg9: memref<2176xi32, #tpu.memory_space<vmem>>, %arg10: memref<17x128xi32, #tpu.memory_space<vmem>>, %arg11: memref<128x128xf32, #tpu.memory_space<vmem>>, %arg12: memref<128x128xf32, #tpu.memory_space<vmem>>, %arg13: memref<!tpu.dma_semaphore, #tpu.memory_space<semaphore_mem>>, %arg14: memref<!tpu.dma_semaphore, #tpu.memory_space<semaphore_mem>>, %arg15: memref<!tpu.dma_semaphore, #tpu.memory_space<semaphore_mem>>, %arg16: memref<10112x128xf32, #tpu.memory_space<vmem_shared>>) attributes {dimension_semantics = [#tpu.dimension_semantics<core_parallel>, #tpu.dimension_semantics<subcore_parallel>], iteration_bounds = array<i64: 2, 16>, scalar_prefetch = 0 : i64, scratch_operands = 11 : i64, tpu.core_type = #tpu.core_type<sc_vector_subcore>, window_params = [{transform_indices = #map}, {transform_indices = #map1}, {transform_indices = #map1}, {transform_indices = #map}]} {
    %mul3A = arith.constant 10000 : i32
    %mul3A_0 = arith.muli %arg0, %mul3A : i32
    %add3A = arith.constant 10000 : i32
    %add3A_1 = arith.addi %add3A, %arg1 : i32
    %scan3A = arith.constant 0 : i32
    %scan3A_2 = arith.constant 0 : i32
    %scan3A_3 = arith.constant 128 : i32
    %scan3A_4 = arith.addi %scan3A_2, %scan3A_3 : i32
    %scan3A_5 = arith.constant 1 : i32
    %scan3A_6 = scf.for %scan3A_108 = %scan3A_2 to %scan3A_4 step %scan3A_5 iter_args(%scan3A_109 = %scan3A) -> (i32)  : i32 {
      %scan3A_110 = arith.constant 0 : i32
      %scan3A_111 = arith.constant 0 : i32
      %scan3A_112 = arith.constant 8 : i32
      %scan3A_113 = arith.addi %scan3A_111, %scan3A_112 : i32
      %scan3A_114 = arith.constant 1 : i32
      %scan3A_115 = scf.for %scan3A_118 = %scan3A_111 to %scan3A_113 step %scan3A_114 iter_args(%scan3A_119 = %scan3A_110) -> (i32)  : i32 {
        %broadcast_in_dim3A_120 = arith.constant 0.000000e+00 : f32
        %broadcast_in_dim3A_121 = vector.broadcast %broadcast_in_dim3A_120 : f32 to vector<16xf32>
        %mul3A_122 = arith.constant 16 : i32
        %mul3A_123 = arith.muli %scan3A_118, %mul3A_122 : i32
        %swap3A = arith.index_cast %scan3A_108 : i32 to index
        %swap3A_124 = arith.index_cast %mul3A_123 : i32 to index
        %swap3A_125 = tpu.vector_load %arg11[%swap3A, %swap3A_124] {strides = array<i32>} : memref<128x128xf32, #tpu.memory_space<vmem>>, vector<16xf32>,
        tpu.vector_store %arg11[%swap3A, %swap3A_124], %broadcast_in_dim3A_121 {strides = array<i32>} : memref<128x128xf32, #tpu.memory_space<vmem>>, vector<16xf32>,
        %scan3A_126 = arith.constant 0 : i32
        scf.yield %scan3A_126 : i32
      }
      %scan3A_116 = arith.constant 8 : i32
      %scan3A_117 = arith.constant 0 : i32
      scf.yield %scan3A_117 : i32
    }
    %scan3A_7 = arith.constant 128 : i32
    %mul3A_8 = arith.constant 632 : i32
    %mul3A_9 = arith.muli %arg1, %mul3A_8 : i32
    %add3A_10 = arith.constant 0 : i32
    %add3A_11 = arith.addi %mul3A_9, %add3A_10 : i32
    "tpu.region"() ({
      %run_scoped3A = tpu.sem_alloc : memref<!tpu.dma_semaphore, #tpu.memory_space<semaphore_mem>>
      %dma_start3A_108 = arith.constant 0 : i32
      %dma_start3A_109 = arith.constant 0 : i32
      %dma_start3A_110 = tpu.memref_slice %arg11[%dma_start3A_108, %dma_start3A_109] : memref<128x128xf32, #tpu.memory_space<vmem>> -> memref<128x128xf32, #tpu.memory_space<vmem>>
      %dma_start3A_111 = arith.constant 0 : i32
      %dma_start3A_112 = tpu.memref_slice %arg16[%add3A_11, %dma_start3A_111] : memref<10112x128xf32, #tpu.memory_space<vmem_shared>> -> memref<128x128xf32, #tpu.memory_space<vmem_shared>>
      %dma_start3A_113 = arith.constant 0 : i32
      %dma_start3A_114 = tpu.memref_slice %arg16[%add3A_11, %dma_start3A_113] : memref<10112x128xf32, #tpu.memory_space<vmem_shared>> -> memref<128x128xf32, #tpu.memory_space<vmem_shared>>
      %dma_start3A_115 = arith.constant 0 : i32
      %dma_start3A_116 = arith.constant 0 : i32
      %dma_start3A_117 = tpu.memref_slice %arg11[%dma_start3A_115, %dma_start3A_116] : memref<128x128xf32, #tpu.memory_space<vmem>> -> memref<128x128xf32, #tpu.memory_space<vmem>>
      tpu.enqueue_dma source(%dma_start3A_117 : memref<128x128xf32, #tpu.memory_space<vmem>>) target(%dma_start3A_114 : memref<128x128xf32, #tpu.memory_space<vmem_shared>>) target_semaphore(%run_scoped3A : memref<!tpu.dma_semaphore, #tpu.memory_space<semaphore_mem>>)
      %dma_wait3A_118 = arith.constant 0 : i32
      %dma_wait3A_119 = arith.constant 0 : i32
      %dma_wait3A_120 = tpu.memref_slice %arg11[%dma_wait3A_118, %dma_wait3A_119] : memref<128x128xf32, #tpu.memory_space<vmem>> -> memref<128x128xf32, #tpu.memory_space<vmem>>
      %dma_wait3A_121 = arith.constant 0 : i32
      %dma_wait3A_122 = tpu.memref_slice %arg16[%add3A_11, %dma_wait3A_121] : memref<10112x128xf32, #tpu.memory_space<vmem_shared>> -> memref<128x128xf32, #tpu.memory_space<vmem_shared>>
      %dma_wait3A_123 = arith.constant 0 : i32
      %dma_wait3A_124 = tpu.memref_slice %arg16[%add3A_11, %dma_wait3A_123] : memref<10112x128xf32, #tpu.memory_space<vmem_shared>> -> memref<128x128xf32, #tpu.memory_space<vmem_shared>>
      %dma_wait3A_125 = arith.constant 0 : i32
      %dma_wait3A_126 = arith.constant 0 : i32
      %dma_wait3A_127 = tpu.memref_slice %arg11[%dma_wait3A_125, %dma_wait3A_126] : memref<128x128xf32, #tpu.memory_space<vmem>> -> memref<128x128xf32, #tpu.memory_space<vmem>>
      tpu.wait_dma2 semaphore(%run_scoped3A : memref<!tpu.dma_semaphore, #tpu.memory_space<semaphore_mem>>) src(%dma_wait3A_127 : memref<128x128xf32, #tpu.memory_space<vmem>>) dst(%dma_wait3A_124 : memref<128x128xf32, #tpu.memory_space<vmem_shared>>)
      tpu.yield
    }) : () -> ()
    %mul3A_12 = arith.constant 632 : i32
    %mul3A_13 = arith.muli %arg1, %mul3A_12 : i32
    %add3A_14 = arith.constant 128 : i32
    %add3A_15 = arith.addi %mul3A_13, %add3A_14 : i32
    "tpu.region"() ({
      %run_scoped3A = tpu.sem_alloc : memref<!tpu.dma_semaphore, #tpu.memory_space<semaphore_mem>>
      %dma_start3A_108 = arith.constant 0 : i32
      %dma_start3A_109 = arith.constant 0 : i32
      %dma_start3A_110 = tpu.memref_slice %arg11[%dma_start3A_108, %dma_start3A_109] : memref<128x128xf32, #tpu.memory_space<vmem>> -> memref<128x128xf32, #tpu.memory_space<vmem>>
      %dma_start3A_111 = arith.constant 0 : i32
      %dma_start3A_112 = tpu.memref_slice %arg16[%add3A_15, %dma_start3A_111] : memref<10112x128xf32, #tpu.memory_space<vmem_shared>> -> memref<128x128xf32, #tpu.memory_space<vmem_shared>>
      %dma_start3A_113 = arith.constant 0 : i32
      %dma_start3A_114 = tpu.memref_slice %arg16[%add3A_15, %dma_start3A_113] : memref<10112x128xf32, #tpu.memory_space<vmem_shared>> -> memref<128x128xf32, #tpu.memory_space<vmem_shared>>
      %dma_start3A_115 = arith.constant 0 : i32
      %dma_start3A_116 = arith.constant 0 : i32
      %dma_start3A_117 = tpu.memref_slice %arg11[%dma_start3A_115, %dma_start3A_116] : memref<128x128xf32, #tpu.memory_space<vmem>> -> memref<128x128xf32, #tpu.memory_space<vmem>>
      tpu.enqueue_dma source(%dma_start3A_117 : memref<128x128xf32, #tpu.memory_space<vmem>>) target(%dma_start3A_114 : memref<128x128xf32, #tpu.memory_space<vmem_shared>>) target_semaphore(%run_scoped3A : memref<!tpu.dma_semaphore, #tpu.memory_space<semaphore_mem>>)
      %dma_wait3A_118 = arith.constant 0 : i32
      %dma_wait3A_119 = arith.constant 0 : i32
      %dma_wait3A_120 = tpu.memref_slice %arg11[%dma_wait3A_118, %dma_wait3A_119] : memref<128x128xf32, #tpu.memory_space<vmem>> -> memref<128x128xf32, #tpu.memory_space<vmem>>
      %dma_wait3A_121 = arith.constant 0 : i32
      %dma_wait3A_122 = tpu.memref_slice %arg16[%add3A_15, %dma_wait3A_121] : memref<10112x128xf32, #tpu.memory_space<vmem_shared>> -> memref<128x128xf32, #tpu.memory_space<vmem_shared>>
      %dma_wait3A_123 = arith.constant 0 : i32
      %dma_wait3A_124 = tpu.memref_slice %arg16[%add3A_15, %dma_wait3A_123] : memref<10112x128xf32, #tpu.memory_space<vmem_shared>> -> memref<128x128xf32, #tpu.memory_space<vmem_shared>>
      %dma_wait3A_125 = arith.constant 0 : i32
      %dma_wait3A_126 = arith.constant 0 : i32
      %dma_wait3A_127 = tpu.memref_slice %arg11[%dma_wait3A_125, %dma_wait3A_126] : memref<128x128xf32, #tpu.memory_space<vmem>> -> memref<128x128xf32, #tpu.memory_space<vmem>>
      tpu.wait_dma2 semaphore(%run_scoped3A : memref<!tpu.dma_semaphore, #tpu.memory_space<semaphore_mem>>) src(%dma_wait3A_127 : memref<128x128xf32, #tpu.memory_space<vmem>>) dst(%dma_wait3A_124 : memref<128x128xf32, #tpu.memory_space<vmem_shared>>)
      tpu.yield
    }) : () -> ()
    %mul3A_16 = arith.constant 632 : i32
    %mul3A_17 = arith.muli %arg1, %mul3A_16 : i32
    %add3A_18 = arith.constant 256 : i32
    %add3A_19 = arith.addi %mul3A_17, %add3A_18 : i32
    "tpu.region"() ({
      %run_scoped3A = tpu.sem_alloc : memref<!tpu.dma_semaphore, #tpu.memory_space<semaphore_mem>>
      %dma_start3A_108 = arith.constant 0 : i32
      %dma_start3A_109 = arith.constant 0 : i32
      %dma_start3A_110 = tpu.memref_slice %arg11[%dma_start3A_108, %dma_start3A_109] : memref<128x128xf32, #tpu.memory_space<vmem>> -> memref<128x128xf32, #tpu.memory_space<vmem>>
      %dma_start3A_111 = arith.constant 0 : i32
      %dma_start3A_112 = tpu.memref_slice %arg16[%add3A_19, %dma_start3A_111] : memref<10112x128xf32, #tpu.memory_space<vmem_shared>> -> memref<128x128xf32, #tpu.memory_space<vmem_shared>>
      %dma_start3A_113 = arith.constant 0 : i32
      %dma_start3A_114 = tpu.memref_slice %arg16[%add3A_19, %dma_start3A_113] : memref<10112x128xf32, #tpu.memory_space<vmem_shared>> -> memref<128x128xf32, #tpu.memory_space<vmem_shared>>
      %dma_start3A_115 = arith.constant 0 : i32
      %dma_start3A_116 = arith.constant 0 : i32
      %dma_start3A_117 = tpu.memref_slice %arg11[%dma_start3A_115, %dma_start3A_116] : memref<128x128xf32, #tpu.memory_space<vmem>> -> memref<128x128xf32, #tpu.memory_space<vmem>>
      tpu.enqueue_dma source(%dma_start3A_117 : memref<128x128xf32, #tpu.memory_space<vmem>>) target(%dma_start3A_114 : memref<128x128xf32, #tpu.memory_space<vmem_shared>>) target_semaphore(%run_scoped3A : memref<!tpu.dma_semaphore, #tpu.memory_space<semaphore_mem>>)
      %dma_wait3A_118 = arith.constant 0 : i32
      %dma_wait3A_119 = arith.constant 0 : i32
      %dma_wait3A_120 = tpu.memref_slice %arg11[%dma_wait3A_118, %dma_wait3A_119] : memref<128x128xf32, #tpu.memory_space<vmem>> -> memref<128x128xf32, #tpu.memory_space<vmem>>
      %dma_wait3A_121 = arith.constant 0 : i32
      %dma_wait3A_122 = tpu.memref_slice %arg16[%add3A_19, %dma_wait3A_121] : memref<10112x128xf32, #tpu.memory_space<vmem_shared>> -> memref<128x128xf32, #tpu.memory_space<vmem_shared>>
      %dma_wait3A_123 = arith.constant 0 : i32
      %dma_wait3A_124 = tpu.memref_slice %arg16[%add3A_19, %dma_wait3A_123] : memref<10112x128xf32, #tpu.memory_space<vmem_shared>> -> memref<128x128xf32, #tpu.memory_space<vmem_shared>>
      %dma_wait3A_125 = arith.constant 0 : i32
      %dma_wait3A_126 = arith.constant 0 : i32
      %dma_wait3A_127 = tpu.memref_slice %arg11[%dma_wait3A_125, %dma_wait3A_126] : memref<128x128xf32, #tpu.memory_space<vmem>> -> memref<128x128xf32, #tpu.memory_space<vmem>>
      tpu.wait_dma2 semaphore(%run_scoped3A : memref<!tpu.dma_semaphore, #tpu.memory_space<semaphore_mem>>) src(%dma_wait3A_127 : memref<128x128xf32, #tpu.memory_space<vmem>>) dst(%dma_wait3A_124 : memref<128x128xf32, #tpu.memory_space<vmem_shared>>)
      tpu.yield
    }) : () -> ()
    %mul3A_20 = arith.constant 632 : i32
    %mul3A_21 = arith.muli %arg1, %mul3A_20 : i32
    %add3A_22 = arith.constant 384 : i32
    %add3A_23 = arith.addi %mul3A_21, %add3A_22 : i32
    "tpu.region"() ({
      %run_scoped3A = tpu.sem_alloc : memref<!tpu.dma_semaphore, #tpu.memory_space<semaphore_mem>>
      %dma_start3A_108 = arith.constant 0 : i32
      %dma_start3A_109 = arith.constant 0 : i32
      %dma_start3A_110 = tpu.memref_slice %arg11[%dma_start3A_108, %dma_start3A_109] : memref<128x128xf32, #tpu.memory_space<vmem>> -> memref<128x128xf32, #tpu.memory_space<vmem>>
      %dma_start3A_111 = arith.constant 0 : i32
      %dma_start3A_112 = tpu.memref_slice %arg16[%add3A_23, %dma_start3A_111] : memref<10112x128xf32, #tpu.memory_space<vmem_shared>> -> memref<128x128xf32, #tpu.memory_space<vmem_shared>>
      %dma_start3A_113 = arith.constant 0 : i32
      %dma_start3A_114 = tpu.memref_slice %arg16[%add3A_23, %dma_start3A_113] : memref<10112x128xf32, #tpu.memory_space<vmem_shared>> -> memref<128x128xf32, #tpu.memory_space<vmem_shared>>
      %dma_start3A_115 = arith.constant 0 : i32
      %dma_start3A_116 = arith.constant 0 : i32
      %dma_start3A_117 = tpu.memref_slice %arg11[%dma_start3A_115, %dma_start3A_116] : memref<128x128xf32, #tpu.memory_space<vmem>> -> memref<128x128xf32, #tpu.memory_space<vmem>>
      tpu.enqueue_dma source(%dma_start3A_117 : memref<128x128xf32, #tpu.memory_space<vmem>>) target(%dma_start3A_114 : memref<128x128xf32, #tpu.memory_space<vmem_shared>>) target_semaphore(%run_scoped3A : memref<!tpu.dma_semaphore, #tpu.memory_space<semaphore_mem>>)
      %dma_wait3A_118 = arith.constant 0 : i32
      %dma_wait3A_119 = arith.constant 0 : i32
      %dma_wait3A_120 = tpu.memref_slice %arg11[%dma_wait3A_118, %dma_wait3A_119] : memref<128x128xf32, #tpu.memory_space<vmem>> -> memref<128x128xf32, #tpu.memory_space<vmem>>
      %dma_wait3A_121 = arith.constant 0 : i32
      %dma_wait3A_122 = tpu.memref_slice %arg16[%add3A_23, %dma_wait3A_121] : memref<10112x128xf32, #tpu.memory_space<vmem_shared>> -> memref<128x128xf32, #tpu.memory_space<vmem_shared>>
      %dma_wait3A_123 = arith.constant 0 : i32
      %dma_wait3A_124 = tpu.memref_slice %arg16[%add3A_23, %dma_wait3A_123] : memref<10112x128xf32, #tpu.memory_space<vmem_shared>> -> memref<128x128xf32, #tpu.memory_space<vmem_shared>>
      %dma_wait3A_125 = arith.constant 0 : i32
      %dma_wait3A_126 = arith.constant 0 : i32
      %dma_wait3A_127 = tpu.memref_slice %arg11[%dma_wait3A_125, %dma_wait3A_126] : memref<128x128xf32, #tpu.memory_space<vmem>> -> memref<128x128xf32, #tpu.memory_space<vmem>>
      tpu.wait_dma2 semaphore(%run_scoped3A : memref<!tpu.dma_semaphore, #tpu.memory_space<semaphore_mem>>) src(%dma_wait3A_127 : memref<128x128xf32, #tpu.memory_space<vmem>>) dst(%dma_wait3A_124 : memref<128x128xf32, #tpu.memory_space<vmem_shared>>)
      tpu.yield
    }) : () -> ()
    %mul3A_24 = arith.constant 632 : i32
    %mul3A_25 = arith.muli %arg1, %mul3A_24 : i32
    %add3A_26 = arith.constant 512 : i32
    %add3A_27 = arith.addi %mul3A_25, %add3A_26 : i32
    "tpu.region"() ({
      %run_scoped3A = tpu.sem_alloc : memref<!tpu.dma_semaphore, #tpu.memory_space<semaphore_mem>>
      %dma_start3A_108 = arith.constant 0 : i32
      %dma_start3A_109 = arith.constant 0 : i32
      %dma_start3A_110 = tpu.memref_slice %arg11[%dma_start3A_108, %dma_start3A_109] : memref<128x128xf32, #tpu.memory_space<vmem>> -> memref<120x128xf32, #tpu.memory_space<vmem>>
      %dma_start3A_111 = arith.constant 0 : i32
      %dma_start3A_112 = tpu.memref_slice %arg16[%add3A_27, %dma_start3A_111] : memref<10112x128xf32, #tpu.memory_space<vmem_shared>> -> memref<120x128xf32, #tpu.memory_space<vmem_shared>>
      %dma_start3A_113 = arith.constant 0 : i32
      %dma_start3A_114 = tpu.memref_slice %arg16[%add3A_27, %dma_start3A_113] : memref<10112x128xf32, #tpu.memory_space<vmem_shared>> -> memref<120x128xf32, #tpu.memory_space<vmem_shared>>
      %dma_start3A_115 = arith.constant 0 : i32
      %dma_start3A_116 = arith.constant 0 : i32
      %dma_start3A_117 = tpu.memref_slice %arg11[%dma_start3A_115, %dma_start3A_116] : memref<128x128xf32, #tpu.memory_space<vmem>> -> memref<120x128xf32, #tpu.memory_space<vmem>>
      tpu.enqueue_dma source(%dma_start3A_117 : memref<120x128xf32, #tpu.memory_space<vmem>>) target(%dma_start3A_114 : memref<120x128xf32, #tpu.memory_space<vmem_shared>>) target_semaphore(%run_scoped3A : memref<!tpu.dma_semaphore, #tpu.memory_space<semaphore_mem>>)
      %dma_wait3A_118 = arith.constant 0 : i32
      %dma_wait3A_119 = arith.constant 0 : i32
      %dma_wait3A_120 = tpu.memref_slice %arg11[%dma_wait3A_118, %dma_wait3A_119] : memref<128x128xf32, #tpu.memory_space<vmem>> -> memref<120x128xf32, #tpu.memory_space<vmem>>
      %dma_wait3A_121 = arith.constant 0 : i32
      %dma_wait3A_122 = tpu.memref_slice %arg16[%add3A_27, %dma_wait3A_121] : memref<10112x128xf32, #tpu.memory_space<vmem_shared>> -> memref<120x128xf32, #tpu.memory_space<vmem_shared>>
      %dma_wait3A_123 = arith.constant 0 : i32
      %dma_wait3A_124 = tpu.memref_slice %arg16[%add3A_27, %dma_wait3A_123] : memref<10112x128xf32, #tpu.memory_space<vmem_shared>> -> memref<120x128xf32, #tpu.memory_space<vmem_shared>>
      %dma_wait3A_125 = arith.constant 0 : i32
      %dma_wait3A_126 = arith.constant 0 : i32
      %dma_wait3A_127 = tpu.memref_slice %arg11[%dma_wait3A_125, %dma_wait3A_126] : memref<128x128xf32, #tpu.memory_space<vmem>> -> memref<120x128xf32, #tpu.memory_space<vmem>>
      tpu.wait_dma2 semaphore(%run_scoped3A : memref<!tpu.dma_semaphore, #tpu.memory_space<semaphore_mem>>) src(%dma_wait3A_127 : memref<120x128xf32, #tpu.memory_space<vmem>>) dst(%dma_wait3A_124 : memref<120x128xf32, #tpu.memory_space<vmem_shared>>)
      tpu.yield
    }) : () -> ()
    %multiple_of3A = arith.constant 0 : i32
    %multiple_of3A_28 = tpu.assume_multiple %multiple_of3A, 8 : i32
    %dma_start3A = arith.constant 0 : i32
    %dma_start3A_29 = arith.constant 0 : i32
    %dma_start3A_30 = arith.constant 0 : i32
    %dma_start3A_31 = tpu.memref_slice %arg6[%dma_start3A, %dma_start3A_29, %dma_start3A_30] : memref<2x16x128xi32, #tpu.memory_space<vmem>> -> memref<1x16x128xi32, #tpu.memory_space<vmem>>
    %dma_start3A_32 = tpu.memref_squeeze %dma_start3A_31 : memref<1x16x128xi32, #tpu.memory_space<vmem>> -> memref<16x128xi32, #tpu.memory_space<vmem>>
    %dma_start3A_33 = arith.constant 0 : i32
    %dma_start3A_34 = tpu.memref_slice %arg3[%arg1, %multiple_of3A_28, %dma_start3A_33] : memref<16x160x128xi32, #tpu.memory_space<hbm>> -> memref<1x16x128xi32, #tpu.memory_space<hbm>>
    %dma_start3A_35 = tpu.memref_squeeze %dma_start3A_34 : memref<1x16x128xi32, #tpu.memory_space<hbm>> -> memref<16x128xi32, #tpu.memory_space<hbm>>
    %dma_start3A_36 = arith.constant 0 : i32
    %dma_start3A_37 = arith.constant 0 : i32
    %dma_start3A_38 = tpu.memref_slice %arg6[%dma_start3A, %dma_start3A_36, %dma_start3A_37] : memref<2x16x128xi32, #tpu.memory_space<vmem>> -> memref<1x16x128xi32, #tpu.memory_space<vmem>>
    %dma_start3A_39 = tpu.memref_squeeze %dma_start3A_38 : memref<1x16x128xi32, #tpu.memory_space<vmem>> -> memref<16x128xi32, #tpu.memory_space<vmem>>
    %dma_start3A_40 = arith.constant 0 : i32
    %dma_start3A_41 = tpu.memref_slice %arg3[%arg1, %multiple_of3A_28, %dma_start3A_40] : memref<16x160x128xi32, #tpu.memory_space<hbm>> -> memref<1x16x128xi32, #tpu.memory_space<hbm>>
    %dma_start3A_42 = tpu.memref_squeeze %dma_start3A_41 : memref<1x16x128xi32, #tpu.memory_space<hbm>> -> memref<16x128xi32, #tpu.memory_space<hbm>>
    tpu.enqueue_dma source(%dma_start3A_42 : memref<16x128xi32, #tpu.memory_space<hbm>>) target(%dma_start3A_39 : memref<16x128xi32, #tpu.memory_space<vmem>>) target_semaphore(%arg15 : memref<!tpu.dma_semaphore, #tpu.memory_space<semaphore_mem>>)
    %dma_start3A_43 = arith.constant 0 : i32
    %dma_start3A_44 = arith.constant 0 : i32
    %dma_start3A_45 = arith.constant 0 : i32
    %dma_start3A_46 = tpu.memref_slice %arg7[%dma_start3A_43, %dma_start3A_44, %dma_start3A_45] : memref<2x16x128xi32, #tpu.memory_space<vmem>> -> memref<1x16x128xi32, #tpu.memory_space<vmem>>
    %dma_start3A_47 = tpu.memref_squeeze %dma_start3A_46 : memref<1x16x128xi32, #tpu.memory_space<vmem>> -> memref<16x128xi32, #tpu.memory_space<vmem>>
    %dma_start3A_48 = arith.constant 0 : i32
    %dma_start3A_49 = tpu.memref_slice %arg4[%arg1, %multiple_of3A_28, %dma_start3A_48] : memref<16x160x128xi32, #tpu.memory_space<hbm>> -> memref<1x16x128xi32, #tpu.memory_space<hbm>>
    %dma_start3A_50 = tpu.memref_squeeze %dma_start3A_49 : memref<1x16x128xi32, #tpu.memory_space<hbm>> -> memref<16x128xi32, #tpu.memory_space<hbm>>
    %dma_start3A_51 = arith.constant 0 : i32
    %dma_start3A_52 = arith.constant 0 : i32
    %dma_start3A_53 = tpu.memref_slice %arg7[%dma_start3A_43, %dma_start3A_51, %dma_start3A_52] : memref<2x16x128xi32, #tpu.memory_space<vmem>> -> memref<1x16x128xi32, #tpu.memory_space<vmem>>
    %dma_start3A_54 = tpu.memref_squeeze %dma_start3A_53 : memref<1x16x128xi32, #tpu.memory_space<vmem>> -> memref<16x128xi32, #tpu.memory_space<vmem>>
    %dma_start3A_55 = arith.constant 0 : i32
    %dma_start3A_56 = tpu.memref_slice %arg4[%arg1, %multiple_of3A_28, %dma_start3A_55] : memref<16x160x128xi32, #tpu.memory_space<hbm>> -> memref<1x16x128xi32, #tpu.memory_space<hbm>>
    %dma_start3A_57 = tpu.memref_squeeze %dma_start3A_56 : memref<1x16x128xi32, #tpu.memory_space<hbm>> -> memref<16x128xi32, #tpu.memory_space<hbm>>
    tpu.enqueue_dma source(%dma_start3A_57 : memref<16x128xi32, #tpu.memory_space<hbm>>) target(%dma_start3A_54 : memref<16x128xi32, #tpu.memory_space<vmem>>) target_semaphore(%arg15 : memref<!tpu.dma_semaphore, #tpu.memory_space<semaphore_mem>>)
    %dma_wait3A = arith.constant 0 : i32
    %dma_wait3A_58 = arith.constant 0 : i32
    %dma_wait3A_59 = arith.constant 0 : i32
    %dma_wait3A_60 = tpu.memref_slice %arg6[%dma_wait3A, %dma_wait3A_58, %dma_wait3A_59] : memref<2x16x128xi32, #tpu.memory_space<vmem>> -> memref<1x16x128xi32, #tpu.memory_space<vmem>>
    %dma_wait3A_61 = tpu.memref_squeeze %dma_wait3A_60 : memref<1x16x128xi32, #tpu.memory_space<vmem>> -> memref<16x128xi32, #tpu.memory_space<vmem>>
    %dma_wait3A_62 = arith.constant 0 : i32
    %dma_wait3A_63 = arith.constant 0 : i32
    %dma_wait3A_64 = tpu.memref_slice %arg3[%arg1, %dma_wait3A_62, %dma_wait3A_63] : memref<16x160x128xi32, #tpu.memory_space<hbm>> -> memref<1x16x128xi32, #tpu.memory_space<hbm>>
    %dma_wait3A_65 = tpu.memref_squeeze %dma_wait3A_64 : memref<1x16x128xi32, #tpu.memory_space<hbm>> -> memref<16x128xi32, #tpu.memory_space<hbm>>
    %dma_wait3A_66 = arith.constant 0 : i32
    %dma_wait3A_67 = arith.constant 0 : i32
    %dma_wait3A_68 = tpu.memref_slice %arg6[%dma_wait3A, %dma_wait3A_66, %dma_wait3A_67] : memref<2x16x128xi32, #tpu.memory_space<vmem>> -> memref<1x16x128xi32, #tpu.memory_space<vmem>>
    %dma_wait3A_69 = tpu.memref_squeeze %dma_wait3A_68 : memref<1x16x128xi32, #tpu.memory_space<vmem>> -> memref<16x128xi32, #tpu.memory_space<vmem>>
    %dma_wait3A_70 = arith.constant 0 : i32
    %dma_wait3A_71 = arith.constant 0 : i32
    %dma_wait3A_72 = tpu.memref_slice %arg3[%arg1, %dma_wait3A_70, %dma_wait3A_71] : memref<16x160x128xi32, #tpu.memory_space<hbm>> -> memref<1x16x128xi32, #tpu.memory_space<hbm>>
    %dma_wait3A_73 = tpu.memref_squeeze %dma_wait3A_72 : memref<1x16x128xi32, #tpu.memory_space<hbm>> -> memref<16x128xi32, #tpu.memory_space<hbm>>
    tpu.wait_dma2 semaphore(%arg15 : memref<!tpu.dma_semaphore, #tpu.memory_space<semaphore_mem>>) src(%dma_wait3A_73 : memref<16x128xi32, #tpu.memory_space<hbm>>) dst(%dma_wait3A_69 : memref<16x128xi32, #tpu.memory_space<vmem>>)
    %dma_wait3A_74 = arith.constant 0 : i32
    %dma_wait3A_75 = arith.constant 0 : i32
    %dma_wait3A_76 = arith.constant 0 : i32
    %dma_wait3A_77 = tpu.memref_slice %arg7[%dma_wait3A_74, %dma_wait3A_75, %dma_wait3A_76] : memref<2x16x128xi32, #tpu.memory_space<vmem>> -> memref<1x16x128xi32, #tpu.memory_space<vmem>>
    %dma_wait3A_78 = tpu.memref_squeeze %dma_wait3A_77 : memref<1x16x128xi32, #tpu.memory_space<vmem>> -> memref<16x128xi32, #tpu.memory_space<vmem>>
    %dma_wait3A_79 = arith.constant 0 : i32
    %dma_wait3A_80 = arith.constant 0 : i32
    %dma_wait3A_81 = tpu.memref_slice %arg4[%arg1, %dma_wait3A_79, %dma_wait3A_80] : memref<16x160x128xi32, #tpu.memory_space<hbm>> -> memref<1x16x128xi32, #tpu.memory_space<hbm>>
    %dma_wait3A_82 = tpu.memref_squeeze %dma_wait3A_81 : memref<1x16x128xi32, #tpu.memory_space<hbm>> -> memref<16x128xi32, #tpu.memory_space<hbm>>
    %dma_wait3A_83 = arith.constant 0 : i32
    %dma_wait3A_84 = arith.constant 0 : i32
    %dma_wait3A_85 = tpu.memref_slice %arg7[%dma_wait3A_74, %dma_wait3A_83, %dma_wait3A_84] : memref<2x16x128xi32, #tpu.memory_space<vmem>> -> memref<1x16x128xi32, #tpu.memory_space<vmem>>
    %dma_wait3A_86 = tpu.memref_squeeze %dma_wait3A_85 : memref<1x16x128xi32, #tpu.memory_space<vmem>> -> memref<16x128xi32, #tpu.memory_space<vmem>>
    %dma_wait3A_87 = arith.constant 0 : i32
    %dma_wait3A_88 = arith.constant 0 : i32
    %dma_wait3A_89 = tpu.memref_slice %arg4[%arg1, %dma_wait3A_87, %dma_wait3A_88] : memref<16x160x128xi32, #tpu.memory_space<hbm>> -> memref<1x16x128xi32, #tpu.memory_space<hbm>>
    %dma_wait3A_90 = tpu.memref_squeeze %dma_wait3A_89 : memref<1x16x128xi32, #tpu.memory_space<hbm>> -> memref<16x128xi32, #tpu.memory_space<hbm>>
    tpu.wait_dma2 semaphore(%arg15 : memref<!tpu.dma_semaphore, #tpu.memory_space<semaphore_mem>>) src(%dma_wait3A_90 : memref<16x128xi32, #tpu.memory_space<hbm>>) dst(%dma_wait3A_86 : memref<16x128xi32, #tpu.memory_space<vmem>>)
    %barrier3A = arith.constant 0 : index
    tpu.barrier barrier_id(%barrier3A)
    %broadcast_in_dim3A = arith.constant true
    %broadcast_in_dim3A_91 = vector.broadcast %broadcast_in_dim3A : i1 to vector<16xi1>
    %broadcast_in_dim3A_92 = arith.constant 0 : i32
    %broadcast_in_dim3A_93 = vector.broadcast %broadcast_in_dim3A_92 : i32 to vector<16xi32>
    %scan3A_94 = arith.constant 0 : i32
    %scan3A_95 = arith.constant 0 : i32
    %scan3A_96 = arith.constant 10 : i32
    %scan3A_97 = arith.addi %scan3A_95, %scan3A_96 : i32
    %scan3A_98 = arith.constant 1 : i32
    %scan3A_99 = scf.for %scan3A_108 = %scan3A_95 to %scan3A_97 step %scan3A_98 iter_args(%scan3A_109 = %scan3A_94) -> (i32)  : i32 {
      %and3A = arith.constant 1 : i32
      %and3A_110 = arith.andi %scan3A_108, %and3A : i32
      %add3A_111 = arith.constant 1 : i32
      %add3A_112 = arith.addi %scan3A_108, %add3A_111 : i32
      %lt3A_113 = arith.constant 10 : i32
      %lt3A_114 = arith.cmpi slt, %add3A_112, %lt3A_113 : i32
      %convert_element_type3A_115 = arith.extui %lt3A_114 : i1 to i32
      %cond3A_116 = arith.constant 0 : i32
      %cond3A_117 = arith.cmpi ne, %convert_element_type3A_115, %cond3A_116 : i32
      scf.if %cond3A_117 {
        %add3A_225 = arith.constant 1 : i32
        %add3A_226 = arith.addi %scan3A_108, %add3A_225 : i32
        %sub3A_227 = arith.constant 1 : i32
        %sub3A_228 = arith.subi %sub3A_227, %and3A_110 : i32
        %mul3A_229 = arith.constant 16 : i32
        %mul3A_230 = arith.muli %add3A_226, %mul3A_229 : i32
        %multiple_of3A_231 = tpu.assume_multiple %mul3A_230, 8 : i32
        %dma_start3A_232 = arith.constant 0 : i32
        %dma_start3A_233 = arith.constant 0 : i32
        %dma_start3A_234 = tpu.memref_slice %arg6[%sub3A_228, %dma_start3A_232, %dma_start3A_233] : memref<2x16x128xi32, #tpu.memory_space<vmem>> -> memref<1x16x128xi32, #tpu.memory_space<vmem>>
        %dma_start3A_235 = tpu.memref_squeeze %dma_start3A_234 : memref<1x16x128xi32, #tpu.memory_space<vmem>> -> memref<16x128xi32, #tpu.memory_space<vmem>>
        %dma_start3A_236 = arith.constant 0 : i32
        %dma_start3A_237 = tpu.memref_slice %arg3[%arg1, %multiple_of3A_231, %dma_start3A_236] : memref<16x160x128xi32, #tpu.memory_space<hbm>> -> memref<1x16x128xi32, #tpu.memory_space<hbm>>
        %dma_start3A_238 = tpu.memref_squeeze %dma_start3A_237 : memref<1x16x128xi32, #tpu.memory_space<hbm>> -> memref<16x128xi32, #tpu.memory_space<hbm>>
        %dma_start3A_239 = arith.constant 0 : i32
        %dma_start3A_240 = arith.constant 0 : i32
        %dma_start3A_241 = tpu.memref_slice %arg6[%sub3A_228, %dma_start3A_239, %dma_start3A_240] : memref<2x16x128xi32, #tpu.memory_space<vmem>> -> memref<1x16x128xi32, #tpu.memory_space<vmem>>
        %dma_start3A_242 = tpu.memref_squeeze %dma_start3A_241 : memref<1x16x128xi32, #tpu.memory_space<vmem>> -> memref<16x128xi32, #tpu.memory_space<vmem>>
        %dma_start3A_243 = arith.constant 0 : i32
        %dma_start3A_244 = tpu.memref_slice %arg3[%arg1, %multiple_of3A_231, %dma_start3A_243] : memref<16x160x128xi32, #tpu.memory_space<hbm>> -> memref<1x16x128xi32, #tpu.memory_space<hbm>>
        %dma_start3A_245 = tpu.memref_squeeze %dma_start3A_244 : memref<1x16x128xi32, #tpu.memory_space<hbm>> -> memref<16x128xi32, #tpu.memory_space<hbm>>
        tpu.enqueue_dma source(%dma_start3A_245 : memref<16x128xi32, #tpu.memory_space<hbm>>) target(%dma_start3A_242 : memref<16x128xi32, #tpu.memory_space<vmem>>) target_semaphore(%arg15 : memref<!tpu.dma_semaphore, #tpu.memory_space<semaphore_mem>>)
        %dma_start3A_246 = arith.constant 0 : i32
        %dma_start3A_247 = arith.constant 0 : i32
        %dma_start3A_248 = tpu.memref_slice %arg7[%sub3A_228, %dma_start3A_246, %dma_start3A_247] : memref<2x16x128xi32, #tpu.memory_space<vmem>> -> memref<1x16x128xi32, #tpu.memory_space<vmem>>
        %dma_start3A_249 = tpu.memref_squeeze %dma_start3A_248 : memref<1x16x128xi32, #tpu.memory_space<vmem>> -> memref<16x128xi32, #tpu.memory_space<vmem>>
        %dma_start3A_250 = arith.constant 0 : i32
        %dma_start3A_251 = tpu.memref_slice %arg4[%arg1, %multiple_of3A_231, %dma_start3A_250] : memref<16x160x128xi32, #tpu.memory_space<hbm>> -> memref<1x16x128xi32, #tpu.memory_space<hbm>>
        %dma_start3A_252 = tpu.memref_squeeze %dma_start3A_251 : memref<1x16x128xi32, #tpu.memory_space<hbm>> -> memref<16x128xi32, #tpu.memory_space<hbm>>
        %dma_start3A_253 = arith.constant 0 : i32
        %dma_start3A_254 = arith.constant 0 : i32
        %dma_start3A_255 = tpu.memref_slice %arg7[%sub3A_228, %dma_start3A_253, %dma_start3A_254] : memref<2x16x128xi32, #tpu.memory_space<vmem>> -> memref<1x16x128xi32, #tpu.memory_space<vmem>>
        %dma_start3A_256 = tpu.memref_squeeze %dma_start3A_255 : memref<1x16x128xi32, #tpu.memory_space<vmem>> -> memref<16x128xi32, #tpu.memory_space<vmem>>
        %dma_start3A_257 = arith.constant 0 : i32
        %dma_start3A_258 = tpu.memref_slice %arg4[%arg1, %multiple_of3A_231, %dma_start3A_257] : memref<16x160x128xi32, #tpu.memory_space<hbm>> -> memref<1x16x128xi32, #tpu.memory_space<hbm>>
        %dma_start3A_259 = tpu.memref_squeeze %dma_start3A_258 : memref<1x16x128xi32, #tpu.memory_space<hbm>> -> memref<16x128xi32, #tpu.memory_space<hbm>>
        tpu.enqueue_dma source(%dma_start3A_259 : memref<16x128xi32, #tpu.memory_space<hbm>>) target(%dma_start3A_256 : memref<16x128xi32, #tpu.memory_space<vmem>>) target_semaphore(%arg15 : memref<!tpu.dma_semaphore, #tpu.memory_space<semaphore_mem>>)
      } else {
      }
      %broadcast_in_dim3A_118 = arith.constant 0 : i32
      %broadcast_in_dim3A_119 = vector.broadcast %broadcast_in_dim3A_118 : i32 to vector<16xi32>
      %scan3A_120 = arith.constant 0 : i32
      %scan3A_121 = arith.constant 32 : i32
      %scan3A_122 = arith.addi %scan3A_120, %scan3A_121 : i32
      %scan3A_123 = arith.constant 1 : i32
      %scan3A_124 = scf.for %scan3A_225 = %scan3A_120 to %scan3A_122 step %scan3A_123 iter_args(%scan3A_226 = %broadcast_in_dim3A_119) -> (vector<16xi32>)  : i32 {
        %mul3A_227 = arith.constant 4 : i32
        %mul3A_228 = arith.muli %scan3A_225, %mul3A_227 : i32
        %add3A_229 = arith.constant 0 : i32
        %add3A_230 = arith.addi %mul3A_228, %add3A_229 : i32
        %shift_right_arithmetic3A_231 = arith.constant 3 : i32
        %shift_right_arithmetic3A_232 = arith.shrsi %add3A_230, %shift_right_arithmetic3A_231 : i32
        %and3A_233 = arith.constant 7 : i32
        %and3A_234 = arith.andi %add3A_230, %and3A_233 : i32
        %mul3A_235 = arith.constant 16 : i32
        %mul3A_236 = arith.muli %and3A_234, %mul3A_235 : i32
        %get3A = arith.index_cast %and3A_110 : i32 to index
        %get3A_237 = arith.index_cast %shift_right_arithmetic3A_232 : i32 to index
        %get3A_238 = arith.index_cast %mul3A_236 : i32 to index
        %get3A_239 = tpu.vector_load %arg7[%get3A, %get3A_237, %get3A_238] {strides = array<i32>} : memref<2x16x128xi32, #tpu.memory_space<vmem>>, vector<16xi32>,
        %get3A_240 = arith.index_cast %and3A_110 : i32 to index
        %get3A_241 = arith.index_cast %shift_right_arithmetic3A_232 : i32 to index
        %get3A_242 = arith.index_cast %mul3A_236 : i32 to index
        %get3A_243 = tpu.vector_load %arg6[%get3A_240, %get3A_241, %get3A_242] {strides = array<i32>} : memref<2x16x128xi32, #tpu.memory_space<vmem>>, vector<16xi32>,
        %ge3A = vector.broadcast %mul3A_0 : i32 to vector<16xi32>
        %ge3A_244 = arith.cmpi sge, %get3A_239, %ge3A : vector<16xi32>
        %add3A_245 = arith.constant 10000 : i32
        %add3A_246 = arith.addi %mul3A_0, %add3A_245 : i32
        %lt3A_247 = vector.broadcast %add3A_246 : i32 to vector<16xi32>
        %lt3A_248 = arith.cmpi slt, %get3A_239, %lt3A_247 : vector<16xi32>
        %and3A_249 = arith.andi %ge3A_244, %lt3A_248 : vector<16xi1>
        %convert_element_type3A_250 = arith.extui %and3A_249 : vector<16xi1> to vector<16xi32>
        %broadcast_in_dim3A_251 = arith.constant true
        %broadcast_in_dim3A_252 = vector.broadcast %broadcast_in_dim3A_251 : i1 to vector<16xi1>
        %masked_cumsum3A = tpu.scan <sum>, %convert_element_type3A_250 masked %broadcast_in_dim3A_252 : vector<16xi32>, vector<16xi1> -> vector<16xi32>
        %add3A_253 = arith.addi %scan3A_226, %masked_cumsum3A : vector<16xi32>
        %sub3A_254 = arith.constant 1 : i32
        %sub3A_255 = vector.broadcast %sub3A_254 : i32 to vector<16xi32>
        %sub3A_256 = arith.subi %add3A_253, %sub3A_255 : vector<16xi32>
        %sub3A_257 = vector.broadcast %mul3A_0 : i32 to vector<16xi32>
        %sub3A_258 = arith.subi %get3A_239, %sub3A_257 : vector<16xi32>
        tpu.vector_store_idx %arg9[%sub3A_256], %sub3A_258 masked %and3A_249 : memref<2176xi32, #tpu.memory_space<vmem>>[vector<16xi32>], vector<16xi32>, vector<16xi1>
        tpu.vector_store_idx %arg8[%sub3A_256], %get3A_243 masked %and3A_249 : memref<2176xi32, #tpu.memory_space<vmem>>[vector<16xi32>], vector<16xi32>, vector<16xi1>
        %all_reduce_population_count3A = tpu.all_reduce %and3A_249 {dim = 0 : i64, kind = #tpu.reduction_kind<sum>} : vector<16xi1> -> vector<16xi32>
        %add3A_259 = arith.addi %scan3A_226, %all_reduce_population_count3A : vector<16xi32>
        %mul3A_260 = arith.constant 4 : i32
        %mul3A_261 = arith.muli %scan3A_225, %mul3A_260 : i32
        %add3A_262 = arith.constant 1 : i32
        %add3A_263 = arith.addi %mul3A_261, %add3A_262 : i32
        %shift_right_arithmetic3A_264 = arith.constant 3 : i32
        %shift_right_arithmetic3A_265 = arith.shrsi %add3A_263, %shift_right_arithmetic3A_264 : i32
        %and3A_266 = arith.constant 7 : i32
        %and3A_267 = arith.andi %add3A_263, %and3A_266 : i32
        %mul3A_268 = arith.constant 16 : i32
        %mul3A_269 = arith.muli %and3A_267, %mul3A_268 : i32
        %get3A_270 = arith.index_cast %and3A_110 : i32 to index
        %get3A_271 = arith.index_cast %shift_right_arithmetic3A_265 : i32 to index
        %get3A_272 = arith.index_cast %mul3A_269 : i32 to index
        %get3A_273 = tpu.vector_load %arg7[%get3A_270, %get3A_271, %get3A_272] {strides = array<i32>} : memref<2x16x128xi32, #tpu.memory_space<vmem>>, vector<16xi32>,
        %get3A_274 = arith.index_cast %and3A_110 : i32 to index
        %get3A_275 = arith.index_cast %shift_right_arithmetic3A_265 : i32 to index
        %get3A_276 = arith.index_cast %mul3A_269 : i32 to index
        %get3A_277 = tpu.vector_load %arg6[%get3A_274, %get3A_275, %get3A_276] {strides = array<i32>} : memref<2x16x128xi32, #tpu.memory_space<vmem>>, vector<16xi32>,
        %ge3A_278 = vector.broadcast %mul3A_0 : i32 to vector<16xi32>
        %ge3A_279 = arith.cmpi sge, %get3A_273, %ge3A_278 : vector<16xi32>
        %add3A_280 = arith.constant 10000 : i32
        %add3A_281 = arith.addi %mul3A_0, %add3A_280 : i32
        %lt3A_282 = vector.broadcast %add3A_281 : i32 to vector<16xi32>
        %lt3A_283 = arith.cmpi slt, %get3A_273, %lt3A_282 : vector<16xi32>
        %and3A_284 = arith.andi %ge3A_279, %lt3A_283 : vector<16xi1>
        %convert_element_type3A_285 = arith.extui %and3A_284 : vector<16xi1> to vector<16xi32>
        %broadcast_in_dim3A_286 = arith.constant true
        %broadcast_in_dim3A_287 = vector.broadcast %broadcast_in_dim3A_286 : i1 to vector<16xi1>
        %masked_cumsum3A_288 = tpu.scan <sum>, %convert_element_type3A_285 masked %broadcast_in_dim3A_287 : vector<16xi32>, vector<16xi1> -> vector<16xi32>
        %add3A_289 = arith.addi %add3A_259, %masked_cumsum3A_288 : vector<16xi32>
        %sub3A_290 = arith.constant 1 : i32
        %sub3A_291 = vector.broadcast %sub3A_290 : i32 to vector<16xi32>
        %sub3A_292 = arith.subi %add3A_289, %sub3A_291 : vector<16xi32>
        %sub3A_293 = vector.broadcast %mul3A_0 : i32 to vector<16xi32>
        %sub3A_294 = arith.subi %get3A_273, %sub3A_293 : vector<16xi32>
        tpu.vector_store_idx %arg9[%sub3A_292], %sub3A_294 masked %and3A_284 : memref<2176xi32, #tpu.memory_space<vmem>>[vector<16xi32>], vector<16xi32>, vector<16xi1>
        tpu.vector_store_idx %arg8[%sub3A_292], %get3A_277 masked %and3A_284 : memref<2176xi32, #tpu.memory_space<vmem>>[vector<16xi32>], vector<16xi32>, vector<16xi1>
        %all_reduce_population_count3A_295 = tpu.all_reduce %and3A_284 {dim = 0 : i64, kind = #tpu.reduction_kind<sum>} : vector<16xi1> -> vector<16xi32>
        %add3A_296 = arith.addi %add3A_259, %all_reduce_population_count3A_295 : vector<16xi32>
        %mul3A_297 = arith.constant 4 : i32
        %mul3A_298 = arith.muli %scan3A_225, %mul3A_297 : i32
        %add3A_299 = arith.constant 2 : i32
        %add3A_300 = arith.addi %mul3A_298, %add3A_299 : i32
        %shift_right_arithmetic3A_301 = arith.constant 3 : i32
        %shift_right_arithmetic3A_302 = arith.shrsi %add3A_300, %shift_right_arithmetic3A_301 : i32
        %and3A_303 = arith.constant 7 : i32
        %and3A_304 = arith.andi %add3A_300, %and3A_303 : i32
        %mul3A_305 = arith.constant 16 : i32
        %mul3A_306 = arith.muli %and3A_304, %mul3A_305 : i32
        %get3A_307 = arith.index_cast %and3A_110 : i32 to index
        %get3A_308 = arith.index_cast %shift_right_arithmetic3A_302 : i32 to index
        %get3A_309 = arith.index_cast %mul3A_306 : i32 to index
        %get3A_310 = tpu.vector_load %arg7[%get3A_307, %get3A_308, %get3A_309] {strides = array<i32>} : memref<2x16x128xi32, #tpu.memory_space<vmem>>, vector<16xi32>,
        %get3A_311 = arith.index_cast %and3A_110 : i32 to index
        %get3A_312 = arith.index_cast %shift_right_arithmetic3A_302 : i32 to index
        %get3A_313 = arith.index_cast %mul3A_306 : i32 to index
        %get3A_314 = tpu.vector_load %arg6[%get3A_311, %get3A_312, %get3A_313] {strides = array<i32>} : memref<2x16x128xi32, #tpu.memory_space<vmem>>, vector<16xi32>,
        %ge3A_315 = vector.broadcast %mul3A_0 : i32 to vector<16xi32>
        %ge3A_316 = arith.cmpi sge, %get3A_310, %ge3A_315 : vector<16xi32>
        %add3A_317 = arith.constant 10000 : i32
        %add3A_318 = arith.addi %mul3A_0, %add3A_317 : i32
        %lt3A_319 = vector.broadcast %add3A_318 : i32 to vector<16xi32>
        %lt3A_320 = arith.cmpi slt, %get3A_310, %lt3A_319 : vector<16xi32>
        %and3A_321 = arith.andi %ge3A_316, %lt3A_320 : vector<16xi1>
        %convert_element_type3A_322 = arith.extui %and3A_321 : vector<16xi1> to vector<16xi32>
        %broadcast_in_dim3A_323 = arith.constant true
        %broadcast_in_dim3A_324 = vector.broadcast %broadcast_in_dim3A_323 : i1 to vector<16xi1>
        %masked_cumsum3A_325 = tpu.scan <sum>, %convert_element_type3A_322 masked %broadcast_in_dim3A_324 : vector<16xi32>, vector<16xi1> -> vector<16xi32>
        %add3A_326 = arith.addi %add3A_296, %masked_cumsum3A_325 : vector<16xi32>
        %sub3A_327 = arith.constant 1 : i32
        %sub3A_328 = vector.broadcast %sub3A_327 : i32 to vector<16xi32>
        %sub3A_329 = arith.subi %add3A_326, %sub3A_328 : vector<16xi32>
        %sub3A_330 = vector.broadcast %mul3A_0 : i32 to vector<16xi32>
        %sub3A_331 = arith.subi %get3A_310, %sub3A_330 : vector<16xi32>
        tpu.vector_store_idx %arg9[%sub3A_329], %sub3A_331 masked %and3A_321 : memref<2176xi32, #tpu.memory_space<vmem>>[vector<16xi32>], vector<16xi32>, vector<16xi1>
        tpu.vector_store_idx %arg8[%sub3A_329], %get3A_314 masked %and3A_321 : memref<2176xi32, #tpu.memory_space<vmem>>[vector<16xi32>], vector<16xi32>, vector<16xi1>
        %all_reduce_population_count3A_332 = tpu.all_reduce %and3A_321 {dim = 0 : i64, kind = #tpu.reduction_kind<sum>} : vector<16xi1> -> vector<16xi32>
        %add3A_333 = arith.addi %add3A_296, %all_reduce_population_count3A_332 : vector<16xi32>
        %mul3A_334 = arith.constant 4 : i32
        %mul3A_335 = arith.muli %scan3A_225, %mul3A_334 : i32
        %add3A_336 = arith.constant 3 : i32
        %add3A_337 = arith.addi %mul3A_335, %add3A_336 : i32
        %shift_right_arithmetic3A_338 = arith.constant 3 : i32
        %shift_right_arithmetic3A_339 = arith.shrsi %add3A_337, %shift_right_arithmetic3A_338 : i32
        %and3A_340 = arith.constant 7 : i32
        %and3A_341 = arith.andi %add3A_337, %and3A_340 : i32
        %mul3A_342 = arith.constant 16 : i32
        %mul3A_343 = arith.muli %and3A_341, %mul3A_342 : i32
        %get3A_344 = arith.index_cast %and3A_110 : i32 to index
        %get3A_345 = arith.index_cast %shift_right_arithmetic3A_339 : i32 to index
        %get3A_346 = arith.index_cast %mul3A_343 : i32 to index
        %get3A_347 = tpu.vector_load %arg7[%get3A_344, %get3A_345, %get3A_346] {strides = array<i32>} : memref<2x16x128xi32, #tpu.memory_space<vmem>>, vector<16xi32>,
        %get3A_348 = arith.index_cast %and3A_110 : i32 to index
        %get3A_349 = arith.index_cast %shift_right_arithmetic3A_339 : i32 to index
        %get3A_350 = arith.index_cast %mul3A_343 : i32 to index
        %get3A_351 = tpu.vector_load %arg6[%get3A_348, %get3A_349, %get3A_350] {strides = array<i32>} : memref<2x16x128xi32, #tpu.memory_space<vmem>>, vector<16xi32>,
        %ge3A_352 = vector.broadcast %mul3A_0 : i32 to vector<16xi32>
        %ge3A_353 = arith.cmpi sge, %get3A_347, %ge3A_352 : vector<16xi32>
        %add3A_354 = arith.constant 10000 : i32
        %add3A_355 = arith.addi %mul3A_0, %add3A_354 : i32
        %lt3A_356 = vector.broadcast %add3A_355 : i32 to vector<16xi32>
        %lt3A_357 = arith.cmpi slt, %get3A_347, %lt3A_356 : vector<16xi32>
        %and3A_358 = arith.andi %ge3A_353, %lt3A_357 : vector<16xi1>
        %convert_element_type3A_359 = arith.extui %and3A_358 : vector<16xi1> to vector<16xi32>
        %broadcast_in_dim3A_360 = arith.constant true
        %broadcast_in_dim3A_361 = vector.broadcast %broadcast_in_dim3A_360 : i1 to vector<16xi1>
        %masked_cumsum3A_362 = tpu.scan <sum>, %convert_element_type3A_359 masked %broadcast_in_dim3A_361 : vector<16xi32>, vector<16xi1> -> vector<16xi32>
        %add3A_363 = arith.addi %add3A_333, %masked_cumsum3A_362 : vector<16xi32>
        %sub3A_364 = arith.constant 1 : i32
        %sub3A_365 = vector.broadcast %sub3A_364 : i32 to vector<16xi32>
        %sub3A_366 = arith.subi %add3A_363, %sub3A_365 : vector<16xi32>
        %sub3A_367 = vector.broadcast %mul3A_0 : i32 to vector<16xi32>
        %sub3A_368 = arith.subi %get3A_347, %sub3A_367 : vector<16xi32>
        tpu.vector_store_idx %arg9[%sub3A_366], %sub3A_368 masked %and3A_358 : memref<2176xi32, #tpu.memory_space<vmem>>[vector<16xi32>], vector<16xi32>, vector<16xi1>
        tpu.vector_store_idx %arg8[%sub3A_366], %get3A_351 masked %and3A_358 : memref<2176xi32, #tpu.memory_space<vmem>>[vector<16xi32>], vector<16xi32>, vector<16xi1>
        %all_reduce_population_count3A_369 = tpu.all_reduce %and3A_358 {dim = 0 : i64, kind = #tpu.reduction_kind<sum>} : vector<16xi1> -> vector<16xi32>
        %add3A_370 = arith.addi %add3A_333, %all_reduce_population_count3A_369 : vector<16xi32>
        scf.yield %add3A_370 : vector<16xi32>
      }
      %scan3A_125 = arith.constant 32 : i32
      %reduce_sum3A = arith.constant true
      %reduce_sum3A_126 = vector.broadcast %reduce_sum3A : i1 to vector<16xi1>
      %reduce_sum3A_127 = tpu.scan <sum>, %scan3A_124 masked %reduce_sum3A_126 : vector<16xi32>, vector<16xi1> -> vector<16xi32>
      %reduce_sum3A_128 = vector.extract %reduce_sum3A_127[15] : i32 from vector<16xi32>
      %shift_right_arithmetic3A = arith.constant 4 : i32
      %shift_right_arithmetic3A_129 = arith.shrsi %reduce_sum3A_128, %shift_right_arithmetic3A : i32
      %add3A_130 = vector.broadcast %add3A_1 : i32 to vector<16xi32>
      %add3A_131 = arith.addi %broadcast_in_dim3A_93, %add3A_130 : vector<16xi32>
      %iota3A = tpu.iota {dimensions = array<i32: 0>} : vector<16xi32>
      %add3A_132 = arith.constant 0 : i32
      %add3A_133 = arith.addi %shift_right_arithmetic3A_129, %add3A_132 : i32
      %add3A_134 = vector.broadcast %add3A_133 : i32 to vector<16xi32>
      %add3A_135 = arith.addi %add3A_134, %iota3A : vector<16xi32>
      tpu.vector_store_idx %arg9[%add3A_135], %add3A_131 masked %broadcast_in_dim3A_91 : memref<2176xi32, #tpu.memory_space<vmem>>[vector<16xi32>], vector<16xi32>, vector<16xi1>
      tpu.vector_store_idx %arg8[%add3A_135], %broadcast_in_dim3A_93 masked %broadcast_in_dim3A_91 : memref<2176xi32, #tpu.memory_space<vmem>>[vector<16xi32>], vector<16xi32>, vector<16xi1>
      %add3A_136 = arith.constant 16 : i32
      %add3A_137 = arith.addi %shift_right_arithmetic3A_129, %add3A_136 : i32
      %add3A_138 = vector.broadcast %add3A_137 : i32 to vector<16xi32>
      %add3A_139 = arith.addi %add3A_138, %iota3A : vector<16xi32>
      tpu.vector_store_idx %arg9[%add3A_139], %add3A_131 masked %broadcast_in_dim3A_91 : memref<2176xi32, #tpu.memory_space<vmem>>[vector<16xi32>], vector<16xi32>, vector<16xi1>
      tpu.vector_store_idx %arg8[%add3A_139], %broadcast_in_dim3A_93 masked %broadcast_in_dim3A_91 : memref<2176xi32, #tpu.memory_space<vmem>>[vector<16xi32>], vector<16xi32>, vector<16xi1>
      %add3A_140 = arith.constant 32 : i32
      %add3A_141 = arith.addi %shift_right_arithmetic3A_129, %add3A_140 : i32
      %add3A_142 = vector.broadcast %add3A_141 : i32 to vector<16xi32>
      %add3A_143 = arith.addi %add3A_142, %iota3A : vector<16xi32>
      tpu.vector_store_idx %arg9[%add3A_143], %add3A_131 masked %broadcast_in_dim3A_91 : memref<2176xi32, #tpu.memory_space<vmem>>[vector<16xi32>], vector<16xi32>, vector<16xi1>
      tpu.vector_store_idx %arg8[%add3A_143], %broadcast_in_dim3A_93 masked %broadcast_in_dim3A_91 : memref<2176xi32, #tpu.memory_space<vmem>>[vector<16xi32>], vector<16xi32>, vector<16xi1>
      %add3A_144 = arith.constant 48 : i32
      %add3A_145 = arith.addi %shift_right_arithmetic3A_129, %add3A_144 : i32
      %add3A_146 = vector.broadcast %add3A_145 : i32 to vector<16xi32>
      %add3A_147 = arith.addi %add3A_146, %iota3A : vector<16xi32>
      tpu.vector_store_idx %arg9[%add3A_147], %add3A_131 masked %broadcast_in_dim3A_91 : memref<2176xi32, #tpu.memory_space<vmem>>[vector<16xi32>], vector<16xi32>, vector<16xi1>
      tpu.vector_store_idx %arg8[%add3A_147], %broadcast_in_dim3A_93 masked %broadcast_in_dim3A_91 : memref<2176xi32, #tpu.memory_space<vmem>>[vector<16xi32>], vector<16xi32>, vector<16xi1>
      %add3A_148 = arith.constant 64 : i32
      %add3A_149 = arith.addi %shift_right_arithmetic3A_129, %add3A_148 : i32
      %add3A_150 = vector.broadcast %add3A_149 : i32 to vector<16xi32>
      %add3A_151 = arith.addi %add3A_150, %iota3A : vector<16xi32>
      tpu.vector_store_idx %arg9[%add3A_151], %add3A_131 masked %broadcast_in_dim3A_91 : memref<2176xi32, #tpu.memory_space<vmem>>[vector<16xi32>], vector<16xi32>, vector<16xi1>
      tpu.vector_store_idx %arg8[%add3A_151], %broadcast_in_dim3A_93 masked %broadcast_in_dim3A_91 : memref<2176xi32, #tpu.memory_space<vmem>>[vector<16xi32>], vector<16xi32>, vector<16xi1>
      %add3A_152 = arith.constant 80 : i32
      %add3A_153 = arith.addi %shift_right_arithmetic3A_129, %add3A_152 : i32
      %add3A_154 = vector.broadcast %add3A_153 : i32 to vector<16xi32>
      %add3A_155 = arith.addi %add3A_154, %iota3A : vector<16xi32>
      tpu.vector_store_idx %arg9[%add3A_155], %add3A_131 masked %broadcast_in_dim3A_91 : memref<2176xi32, #tpu.memory_space<vmem>>[vector<16xi32>], vector<16xi32>, vector<16xi1>
      tpu.vector_store_idx %arg8[%add3A_155], %broadcast_in_dim3A_93 masked %broadcast_in_dim3A_91 : memref<2176xi32, #tpu.memory_space<vmem>>[vector<16xi32>], vector<16xi32>, vector<16xi1>
      %add3A_156 = arith.constant 96 : i32
      %add3A_157 = arith.addi %shift_right_arithmetic3A_129, %add3A_156 : i32
      %add3A_158 = vector.broadcast %add3A_157 : i32 to vector<16xi32>
      %add3A_159 = arith.addi %add3A_158, %iota3A : vector<16xi32>
      tpu.vector_store_idx %arg9[%add3A_159], %add3A_131 masked %broadcast_in_dim3A_91 : memref<2176xi32, #tpu.memory_space<vmem>>[vector<16xi32>], vector<16xi32>, vector<16xi1>
      tpu.vector_store_idx %arg8[%add3A_159], %broadcast_in_dim3A_93 masked %broadcast_in_dim3A_91 : memref<2176xi32, #tpu.memory_space<vmem>>[vector<16xi32>], vector<16xi32>, vector<16xi1>
      %add3A_160 = arith.constant 112 : i32
      %add3A_161 = arith.addi %shift_right_arithmetic3A_129, %add3A_160 : i32
      %add3A_162 = vector.broadcast %add3A_161 : i32 to vector<16xi32>
      %add3A_163 = arith.addi %add3A_162, %iota3A : vector<16xi32>
      tpu.vector_store_idx %arg9[%add3A_163], %add3A_131 masked %broadcast_in_dim3A_91 : memref<2176xi32, #tpu.memory_space<vmem>>[vector<16xi32>], vector<16xi32>, vector<16xi1>
      tpu.vector_store_idx %arg8[%add3A_163], %broadcast_in_dim3A_93 masked %broadcast_in_dim3A_91 : memref<2176xi32, #tpu.memory_space<vmem>>[vector<16xi32>], vector<16xi32>, vector<16xi1>
      %add3A_164 = arith.constant 128 : i32
      %add3A_165 = arith.addi %shift_right_arithmetic3A_129, %add3A_164 : i32
      %sub3A = arith.constant 1 : i32
      %sub3A_166 = arith.subi %add3A_165, %sub3A : i32
      %jit3A = arith.constant 128 : i32
      %div3A = arith.divsi %sub3A_166, %jit3A : i32
      %sign3A = arith.constant 0 : i32
      %sign3A_167 = arith.cmpi sgt, %sub3A_166, %sign3A : i32
      %sign3A_168 = arith.extui %sign3A_167 : i1 to i32
      %sign3A_169 = arith.constant 0 : i32
      %sign3A_170 = arith.cmpi slt, %sub3A_166, %sign3A_169 : i32
      %sign3A_171 = arith.extui %sign3A_170 : i1 to i32
      %sign3A_172 = arith.subi %sign3A_168, %sign3A_171 : i32
      %sign3A_173 = arith.constant 0 : i32
      %sign3A_174 = arith.cmpi sgt, %jit3A, %sign3A_173 : i32
      %sign3A_175 = arith.extui %sign3A_174 : i1 to i32
      %sign3A_176 = arith.constant 0 : i32
      %sign3A_177 = arith.cmpi slt, %jit3A, %sign3A_176 : i32
      %sign3A_178 = arith.extui %sign3A_177 : i1 to i32
      %sign3A_179 = arith.subi %sign3A_175, %sign3A_178 : i32
      %ne3A = arith.cmpi ne, %sign3A_172, %sign3A_179 : i32
      %rem3A = arith.remsi %sub3A_166, %jit3A : i32
      %ne3A_180 = arith.constant 0 : i32
      %ne3A_181 = arith.cmpi ne, %rem3A, %ne3A_180 : i32
      %and3A_182 = arith.andi %ne3A, %ne3A_181 : i1
      %sub3A_183 = arith.constant 1 : i32
      %sub3A_184 = arith.subi %div3A, %sub3A_183 : i32
      %select_n3A = arith.select %and3A_182, %sub3A_184, %div3A : i32
      %gt3A = arith.constant 0 : i32
      %gt3A_185 = arith.cmpi sgt, %select_n3A, %gt3A : i32
      %convert_element_type3A_186 = arith.extui %gt3A_185 : i1 to i32
      %cond3A_187 = arith.constant 0 : i32
      %cond3A_188 = arith.cmpi ne, %convert_element_type3A_186, %cond3A_187 : i32
      scf.if %cond3A_188 {
        %dma_start3A_225 = arith.constant 0 : i32
        %dma_start3A_226 = tpu.memref_slice %arg8[%dma_start3A_225] : memref<2176xi32, #tpu.memory_space<vmem>> -> memref<128xi32, #tpu.memory_space<vmem>>
        %dma_start3A_227 = arith.constant 0 : i32
        %dma_start3A_228 = arith.constant 0 : i32
        %dma_start3A_229 = tpu.memref_slice %arg2[%dma_start3A_227, %dma_start3A_228] : memref<20000x128xf32, #tpu.memory_space<hbm>> -> memref<20000x128xf32, #tpu.memory_space<hbm>>
        tpu.enqueue_indirect_dma source(%dma_start3A_229 : memref<20000x128xf32, #tpu.memory_space<hbm>>) target(%arg11 : memref<128x128xf32, #tpu.memory_space<vmem>>) offsets(%dma_start3A_226 : memref<128xi32, #tpu.memory_space<vmem>>) semaphore(%arg13 : memref<!tpu.dma_semaphore, #tpu.memory_space<semaphore_mem>>)
      } else {
      }
      %gt3A_189 = arith.constant 1 : i32
      %gt3A_190 = arith.cmpi sgt, %select_n3A, %gt3A_189 : i32
      %convert_element_type3A_191 = arith.extui %gt3A_190 : i1 to i32
      %cond3A_192 = arith.constant 0 : i32
      %cond3A_193 = arith.cmpi ne, %convert_element_type3A_191, %cond3A_192 : i32
      scf.if %cond3A_193 {
        %dma_start3A_225 = arith.constant 128 : i32
        %dma_start3A_226 = tpu.memref_slice %arg8[%dma_start3A_225] : memref<2176xi32, #tpu.memory_space<vmem>> -> memref<128xi32, #tpu.memory_space<vmem>>
        %dma_start3A_227 = arith.constant 0 : i32
        %dma_start3A_228 = arith.constant 0 : i32
        %dma_start3A_229 = tpu.memref_slice %arg2[%dma_start3A_227, %dma_start3A_228] : memref<20000x128xf32, #tpu.memory_space<hbm>> -> memref<20000x128xf32, #tpu.memory_space<hbm>>
        tpu.enqueue_indirect_dma source(%dma_start3A_229 : memref<20000x128xf32, #tpu.memory_space<hbm>>) target(%arg12 : memref<128x128xf32, #tpu.memory_space<vmem>>) offsets(%dma_start3A_226 : memref<128xi32, #tpu.memory_space<vmem>>) semaphore(%arg14 : memref<!tpu.dma_semaphore, #tpu.memory_space<semaphore_mem>>)
      } else {
      }
      %while3A = arith.constant 0 : i32
      %while3A_194 = arith.constant 0 : i32
      %while3A_195 = arith.subi %select_n3A, %while3A : i32
      %while3A_196 = arith.addi %while3A, %while3A_195 : i32
      %while3A_197 = arith.constant 1 : i32
      %while3A_198 = arith.divsi %while3A_195, %while3A_197 : i32
      %while3A_199 = arith.muli %while3A_198, %while3A_197 : i32
      %while3A_200 = arith.addi %while3A, %while3A_199 : i32
      %while3A_201 = arith.constant 1 : i32
      %while3A_202 = scf.for %while3A_225 = %while3A to %while3A_200 step %while3A_201 iter_args(%while3A_226 = %while3A_194) -> (i32)  : i32 {
        %mul3A_227 = arith.constant 128 : i32
        %mul3A_228 = arith.muli %while3A_225, %mul3A_227 : i32
        %add3A_229 = arith.constant 0 : i32
        %add3A_230 = arith.addi %mul3A_228, %add3A_229 : i32
        %get3A = arith.index_cast %add3A_230 : i32 to index
        %get3A_231 = tpu.vector_load %arg9[%get3A] {strides = array<i32>} : memref<2176xi32, #tpu.memory_space<vmem>>, vector<16xi32>,
        %swap3A = arith.index_cast %while3A_225 : i32 to index
        %swap3A_232 = arith.constant 0 : index
        %swap3A_233 = tpu.vector_load %arg10[%swap3A, %swap3A_232] {strides = array<i32>} : memref<17x128xi32, #tpu.memory_space<vmem>>, vector<16xi32>,
        tpu.vector_store %arg10[%swap3A, %swap3A_232], %get3A_231 {strides = array<i32>} : memref<17x128xi32, #tpu.memory_space<vmem>>, vector<16xi32>,
        %mul3A_234 = arith.constant 128 : i32
        %mul3A_235 = arith.muli %while3A_225, %mul3A_234 : i32
        %add3A_236 = arith.constant 16 : i32
        %add3A_237 = arith.addi %mul3A_235, %add3A_236 : i32
        %get3A_238 = arith.index_cast %add3A_237 : i32 to index
        %get3A_239 = tpu.vector_load %arg9[%get3A_238] {strides = array<i32>} : memref<2176xi32, #tpu.memory_space<vmem>>, vector<16xi32>,
        %swap3A_240 = arith.index_cast %while3A_225 : i32 to index
        %swap3A_241 = arith.constant 16 : index
        %swap3A_242 = tpu.vector_load %arg10[%swap3A_240, %swap3A_241] {strides = array<i32>} : memref<17x128xi32, #tpu.memory_space<vmem>>, vector<16xi32>,
        tpu.vector_store %arg10[%swap3A_240, %swap3A_241], %get3A_239 {strides = array<i32>} : memref<17x128xi32, #tpu.memory_space<vmem>>, vector<16xi32>,
        %mul3A_243 = arith.constant 128 : i32
        %mul3A_244 = arith.muli %while3A_225, %mul3A_243 : i32
        %add3A_245 = arith.constant 32 : i32
        %add3A_246 = arith.addi %mul3A_244, %add3A_245 : i32
        %get3A_247 = arith.index_cast %add3A_246 : i32 to index
        %get3A_248 = tpu.vector_load %arg9[%get3A_247] {strides = array<i32>} : memref<2176xi32, #tpu.memory_space<vmem>>, vector<16xi32>,
        %swap3A_249 = arith.index_cast %while3A_225 : i32 to index
        %swap3A_250 = arith.constant 32 : index
        %swap3A_251 = tpu.vector_load %arg10[%swap3A_249, %swap3A_250] {strides = array<i32>} : memref<17x128xi32, #tpu.memory_space<vmem>>, vector<16xi32>,
        tpu.vector_store %arg10[%swap3A_249, %swap3A_250], %get3A_248 {strides = array<i32>} : memref<17x128xi32, #tpu.memory_space<vmem>>, vector<16xi32>,
        %mul3A_252 = arith.constant 128 : i32
        %mul3A_253 = arith.muli %while3A_225, %mul3A_252 : i32
        %add3A_254 = arith.constant 48 : i32
        %add3A_255 = arith.addi %mul3A_253, %add3A_254 : i32
        %get3A_256 = arith.index_cast %add3A_255 : i32 to index
        %get3A_257 = tpu.vector_load %arg9[%get3A_256] {strides = array<i32>} : memref<2176xi32, #tpu.memory_space<vmem>>, vector<16xi32>,
        %swap3A_258 = arith.index_cast %while3A_225 : i32 to index
        %swap3A_259 = arith.constant 48 : index
        %swap3A_260 = tpu.vector_load %arg10[%swap3A_258, %swap3A_259] {strides = array<i32>} : memref<17x128xi32, #tpu.memory_space<vmem>>, vector<16xi32>,
        tpu.vector_store %arg10[%swap3A_258, %swap3A_259], %get3A_257 {strides = array<i32>} : memref<17x128xi32, #tpu.memory_space<vmem>>, vector<16xi32>,
        %mul3A_261 = arith.constant 128 : i32
        %mul3A_262 = arith.muli %while3A_225, %mul3A_261 : i32
        %add3A_263 = arith.constant 64 : i32
        %add3A_264 = arith.addi %mul3A_262, %add3A_263 : i32
        %get3A_265 = arith.index_cast %add3A_264 : i32 to index
        %get3A_266 = tpu.vector_load %arg9[%get3A_265] {strides = array<i32>} : memref<2176xi32, #tpu.memory_space<vmem>>, vector<16xi32>,
        %swap3A_267 = arith.index_cast %while3A_225 : i32 to index
        %swap3A_268 = arith.constant 64 : index
        %swap3A_269 = tpu.vector_load %arg10[%swap3A_267, %swap3A_268] {strides = array<i32>} : memref<17x128xi32, #tpu.memory_space<vmem>>, vector<16xi32>,
        tpu.vector_store %arg10[%swap3A_267, %swap3A_268], %get3A_266 {strides = array<i32>} : memref<17x128xi32, #tpu.memory_space<vmem>>, vector<16xi32>,
        %mul3A_270 = arith.constant 128 : i32
        %mul3A_271 = arith.muli %while3A_225, %mul3A_270 : i32
        %add3A_272 = arith.constant 80 : i32
        %add3A_273 = arith.addi %mul3A_271, %add3A_272 : i32
        %get3A_274 = arith.index_cast %add3A_273 : i32 to index
        %get3A_275 = tpu.vector_load %arg9[%get3A_274] {strides = array<i32>} : memref<2176xi32, #tpu.memory_space<vmem>>, vector<16xi32>,
        %swap3A_276 = arith.index_cast %while3A_225 : i32 to index
        %swap3A_277 = arith.constant 80 : index
        %swap3A_278 = tpu.vector_load %arg10[%swap3A_276, %swap3A_277] {strides = array<i32>} : memref<17x128xi32, #tpu.memory_space<vmem>>, vector<16xi32>,
        tpu.vector_store %arg10[%swap3A_276, %swap3A_277], %get3A_275 {strides = array<i32>} : memref<17x128xi32, #tpu.memory_space<vmem>>, vector<16xi32>,
        %mul3A_279 = arith.constant 128 : i32
        %mul3A_280 = arith.muli %while3A_225, %mul3A_279 : i32
        %add3A_281 = arith.constant 96 : i32
        %add3A_282 = arith.addi %mul3A_280, %add3A_281 : i32
        %get3A_283 = arith.index_cast %add3A_282 : i32 to index
        %get3A_284 = tpu.vector_load %arg9[%get3A_283] {strides = array<i32>} : memref<2176xi32, #tpu.memory_space<vmem>>, vector<16xi32>,
        %swap3A_285 = arith.index_cast %while3A_225 : i32 to index
        %swap3A_286 = arith.constant 96 : index
        %swap3A_287 = tpu.vector_load %arg10[%swap3A_285, %swap3A_286] {strides = array<i32>} : memref<17x128xi32, #tpu.memory_space<vmem>>, vector<16xi32>,
        tpu.vector_store %arg10[%swap3A_285, %swap3A_286], %get3A_284 {strides = array<i32>} : memref<17x128xi32, #tpu.memory_space<vmem>>, vector<16xi32>,
        %mul3A_288 = arith.constant 128 : i32
        %mul3A_289 = arith.muli %while3A_225, %mul3A_288 : i32
        %add3A_290 = arith.constant 112 : i32
        %add3A_291 = arith.addi %mul3A_289, %add3A_290 : i32
        %get3A_292 = arith.index_cast %add3A_291 : i32 to index
        %get3A_293 = tpu.vector_load %arg9[%get3A_292] {strides = array<i32>} : memref<2176xi32, #tpu.memory_space<vmem>>, vector<16xi32>,
        %swap3A_294 = arith.index_cast %while3A_225 : i32 to index
        %swap3A_295 = arith.constant 112 : index
        %swap3A_296 = tpu.vector_load %arg10[%swap3A_294, %swap3A_295] {strides = array<i32>} : memref<17x128xi32, #tpu.memory_space<vmem>>, vector<16xi32>,
        tpu.vector_store %arg10[%swap3A_294, %swap3A_295], %get3A_293 {strides = array<i32>} : memref<17x128xi32, #tpu.memory_space<vmem>>, vector<16xi32>,
        %while3A_297 = arith.constant 0 : i32
        scf.yield %while3A_297 : i32
      }
      %while3A_203 = arith.constant 1 : i32
      %while3A_204 = scf.for %while3A_225 = %while3A_200 to %while3A_196 step %while3A_203 iter_args(%while3A_226 = %while3A_202) -> (i32)  : i32 {
        %mul3A_227 = arith.constant 128 : i32
        %mul3A_228 = arith.muli %while3A_225, %mul3A_227 : i32
        %add3A_229 = arith.constant 0 : i32
        %add3A_230 = arith.addi %mul3A_228, %add3A_229 : i32
        %get3A = arith.index_cast %add3A_230 : i32 to index
        %get3A_231 = tpu.vector_load %arg9[%get3A] {strides = array<i32>} : memref<2176xi32, #tpu.memory_space<vmem>>, vector<16xi32>,
        %swap3A = arith.index_cast %while3A_225 : i32 to index
        %swap3A_232 = arith.constant 0 : index
        %swap3A_233 = tpu.vector_load %arg10[%swap3A, %swap3A_232] {strides = array<i32>} : memref<17x128xi32, #tpu.memory_space<vmem>>, vector<16xi32>,
        tpu.vector_store %arg10[%swap3A, %swap3A_232], %get3A_231 {strides = array<i32>} : memref<17x128xi32, #tpu.memory_space<vmem>>, vector<16xi32>,
        %mul3A_234 = arith.constant 128 : i32
        %mul3A_235 = arith.muli %while3A_225, %mul3A_234 : i32
        %add3A_236 = arith.constant 16 : i32
        %add3A_237 = arith.addi %mul3A_235, %add3A_236 : i32
        %get3A_238 = arith.index_cast %add3A_237 : i32 to index
        %get3A_239 = tpu.vector_load %arg9[%get3A_238] {strides = array<i32>} : memref<2176xi32, #tpu.memory_space<vmem>>, vector<16xi32>,
        %swap3A_240 = arith.index_cast %while3A_225 : i32 to index
        %swap3A_241 = arith.constant 16 : index
        %swap3A_242 = tpu.vector_load %arg10[%swap3A_240, %swap3A_241] {strides = array<i32>} : memref<17x128xi32, #tpu.memory_space<vmem>>, vector<16xi32>,
        tpu.vector_store %arg10[%swap3A_240, %swap3A_241], %get3A_239 {strides = array<i32>} : memref<17x128xi32, #tpu.memory_space<vmem>>, vector<16xi32>,
        %mul3A_243 = arith.constant 128 : i32
        %mul3A_244 = arith.muli %while3A_225, %mul3A_243 : i32
        %add3A_245 = arith.constant 32 : i32
        %add3A_246 = arith.addi %mul3A_244, %add3A_245 : i32
        %get3A_247 = arith.index_cast %add3A_246 : i32 to index
        %get3A_248 = tpu.vector_load %arg9[%get3A_247] {strides = array<i32>} : memref<2176xi32, #tpu.memory_space<vmem>>, vector<16xi32>,
        %swap3A_249 = arith.index_cast %while3A_225 : i32 to index
        %swap3A_250 = arith.constant 32 : index
        %swap3A_251 = tpu.vector_load %arg10[%swap3A_249, %swap3A_250] {strides = array<i32>} : memref<17x128xi32, #tpu.memory_space<vmem>>, vector<16xi32>,
        tpu.vector_store %arg10[%swap3A_249, %swap3A_250], %get3A_248 {strides = array<i32>} : memref<17x128xi32, #tpu.memory_space<vmem>>, vector<16xi32>,
        %mul3A_252 = arith.constant 128 : i32
        %mul3A_253 = arith.muli %while3A_225, %mul3A_252 : i32
        %add3A_254 = arith.constant 48 : i32
        %add3A_255 = arith.addi %mul3A_253, %add3A_254 : i32
        %get3A_256 = arith.index_cast %add3A_255 : i32 to index
        %get3A_257 = tpu.vector_load %arg9[%get3A_256] {strides = array<i32>} : memref<2176xi32, #tpu.memory_space<vmem>>, vector<16xi32>,
        %swap3A_258 = arith.index_cast %while3A_225 : i32 to index
        %swap3A_259 = arith.constant 48 : index
        %swap3A_260 = tpu.vector_load %arg10[%swap3A_258, %swap3A_259] {strides = array<i32>} : memref<17x128xi32, #tpu.memory_space<vmem>>, vector<16xi32>,
        tpu.vector_store %arg10[%swap3A_258, %swap3A_259], %get3A_257 {strides = array<i32>} : memref<17x128xi32, #tpu.memory_space<vmem>>, vector<16xi32>,
        %mul3A_261 = arith.constant 128 : i32
        %mul3A_262 = arith.muli %while3A_225, %mul3A_261 : i32
        %add3A_263 = arith.constant 64 : i32
        %add3A_264 = arith.addi %mul3A_262, %add3A_263 : i32
        %get3A_265 = arith.index_cast %add3A_264 : i32 to index
        %get3A_266 = tpu.vector_load %arg9[%get3A_265] {strides = array<i32>} : memref<2176xi32, #tpu.memory_space<vmem>>, vector<16xi32>,
        %swap3A_267 = arith.index_cast %while3A_225 : i32 to index
        %swap3A_268 = arith.constant 64 : index
        %swap3A_269 = tpu.vector_load %arg10[%swap3A_267, %swap3A_268] {strides = array<i32>} : memref<17x128xi32, #tpu.memory_space<vmem>>, vector<16xi32>,
        tpu.vector_store %arg10[%swap3A_267, %swap3A_268], %get3A_266 {strides = array<i32>} : memref<17x128xi32, #tpu.memory_space<vmem>>, vector<16xi32>,
        %mul3A_270 = arith.constant 128 : i32
        %mul3A_271 = arith.muli %while3A_225, %mul3A_270 : i32
        %add3A_272 = arith.constant 80 : i32
        %add3A_273 = arith.addi %mul3A_271, %add3A_272 : i32
        %get3A_274 = arith.index_cast %add3A_273 : i32 to index
        %get3A_275 = tpu.vector_load %arg9[%get3A_274] {strides = array<i32>} : memref<2176xi32, #tpu.memory_space<vmem>>, vector<16xi32>,
        %swap3A_276 = arith.index_cast %while3A_225 : i32 to index
        %swap3A_277 = arith.constant 80 : index
        %swap3A_278 = tpu.vector_load %arg10[%swap3A_276, %swap3A_277] {strides = array<i32>} : memref<17x128xi32, #tpu.memory_space<vmem>>, vector<16xi32>,
        tpu.vector_store %arg10[%swap3A_276, %swap3A_277], %get3A_275 {strides = array<i32>} : memref<17x128xi32, #tpu.memory_space<vmem>>, vector<16xi32>,
        %mul3A_279 = arith.constant 128 : i32
        %mul3A_280 = arith.muli %while3A_225, %mul3A_279 : i32
        %add3A_281 = arith.constant 96 : i32
        %add3A_282 = arith.addi %mul3A_280, %add3A_281 : i32
        %get3A_283 = arith.index_cast %add3A_282 : i32 to index
        %get3A_284 = tpu.vector_load %arg9[%get3A_283] {strides = array<i32>} : memref<2176xi32, #tpu.memory_space<vmem>>, vector<16xi32>,
        %swap3A_285 = arith.index_cast %while3A_225 : i32 to index
        %swap3A_286 = arith.constant 96 : index
        %swap3A_287 = tpu.vector_load %arg10[%swap3A_285, %swap3A_286] {strides = array<i32>} : memref<17x128xi32, #tpu.memory_space<vmem>>, vector<16xi32>,
        tpu.vector_store %arg10[%swap3A_285, %swap3A_286], %get3A_284 {strides = array<i32>} : memref<17x128xi32, #tpu.memory_space<vmem>>, vector<16xi32>,
        %mul3A_288 = arith.constant 128 : i32
        %mul3A_289 = arith.muli %while3A_225, %mul3A_288 : i32
        %add3A_290 = arith.constant 112 : i32
        %add3A_291 = arith.addi %mul3A_289, %add3A_290 : i32
        %get3A_292 = arith.index_cast %add3A_291 : i32 to index
        %get3A_293 = tpu.vector_load %arg9[%get3A_292] {strides = array<i32>} : memref<2176xi32, #tpu.memory_space<vmem>>, vector<16xi32>,
        %swap3A_294 = arith.index_cast %while3A_225 : i32 to index
        %swap3A_295 = arith.constant 112 : index
        %swap3A_296 = tpu.vector_load %arg10[%swap3A_294, %swap3A_295] {strides = array<i32>} : memref<17x128xi32, #tpu.memory_space<vmem>>, vector<16xi32>,
        tpu.vector_store %arg10[%swap3A_294, %swap3A_295], %get3A_293 {strides = array<i32>} : memref<17x128xi32, #tpu.memory_space<vmem>>, vector<16xi32>,
        %while3A_297 = arith.constant 0 : i32
        scf.yield %while3A_297 : i32
      }
      %while3A_205 = arith.constant 0 : i32
      %while3A_206 = arith.constant 0 : i32
      %while3A_207 = arith.subi %select_n3A, %while3A_205 : i32
      %while3A_208 = arith.addi %while3A_205, %while3A_207 : i32
      %while3A_209 = arith.constant 1 : i32
      %while3A_210 = arith.divsi %while3A_207, %while3A_209 : i32
      %while3A_211 = arith.muli %while3A_210, %while3A_209 : i32
      %while3A_212 = arith.addi %while3A_205, %while3A_211 : i32
      %while3A_213 = arith.constant 1 : i32
      %while3A_214 = scf.for %while3A_225 = %while3A_205 to %while3A_212 step %while3A_213 iter_args(%while3A_226 = %while3A_206) -> (i32)  : i32 {
        %and3A_227 = arith.constant 1 : i32
        %and3A_228 = arith.andi %while3A_225, %and3A_227 : i32
        %eq3A_229 = arith.constant 0 : i32
        %eq3A_230 = arith.cmpi eq, %and3A_228, %eq3A_229 : i32
        %convert_element_type3A_231 = arith.extui %eq3A_230 : i1 to i32
        %cond3A_232 = arith.constant 0 : i32
        %cond3A_233 = arith.cmpi ne, %convert_element_type3A_231, %cond3A_232 : i32
        scf.if %cond3A_233 {
          %dma_wait3A_239 = arith.constant 0 : i32
          %dma_wait3A_240 = tpu.memref_slice %arg8[%dma_wait3A_239] : memref<2176xi32, #tpu.memory_space<vmem>> -> memref<128xi32, #tpu.memory_space<vmem>>
          %dma_wait3A_241 = arith.constant 0 : i32
          %dma_wait3A_242 = arith.constant 0 : i32
          %dma_wait3A_243 = tpu.memref_slice %arg2[%dma_wait3A_241, %dma_wait3A_242] : memref<20000x128xf32, #tpu.memory_space<hbm>> -> memref<20000x128xf32, #tpu.memory_space<hbm>>
          tpu.wait_indirect_dma semaphore(%arg13 : memref<!tpu.dma_semaphore, #tpu.memory_space<semaphore_mem>>) src(%dma_wait3A_243 : memref<20000x128xf32, #tpu.memory_space<hbm>>) dst(%arg11 : memref<128x128xf32, #tpu.memory_space<vmem>>)
          "tpu.region"() ({
            %run_scoped3A = tpu.sem_alloc : memref<!tpu.dma_semaphore, #tpu.memory_space<semaphore_mem>>
            %dma_start3A_250 = arith.constant 0 : i32
            %dma_start3A_251 = tpu.memref_slice %arg10[%while3A_225, %dma_start3A_250] : memref<17x128xi32, #tpu.memory_space<vmem>> -> memref<1x128xi32, #tpu.memory_space<vmem>>
            %dma_start3A_252 = tpu.memref_squeeze %dma_start3A_251 : memref<1x128xi32, #tpu.memory_space<vmem>> -> memref<128xi32, #tpu.memory_space<vmem>>
            %dma_start3A_253 = arith.constant 0 : i32
            %dma_start3A_254 = arith.constant 0 : i32
            %dma_start3A_255 = tpu.memref_slice %arg16[%dma_start3A_253, %dma_start3A_254] : memref<10112x128xf32, #tpu.memory_space<vmem_shared>> -> memref<10112x128xf32, #tpu.memory_space<vmem_shared>>
            tpu.enqueue_indirect_dma source(%arg11 : memref<128x128xf32, #tpu.memory_space<vmem>>) target(%dma_start3A_255 : memref<10112x128xf32, #tpu.memory_space<vmem_shared>>) offsets(%dma_start3A_252 : memref<128xi32, #tpu.memory_space<vmem>>) semaphore(%run_scoped3A : memref<!tpu.dma_semaphore, #tpu.memory_space<semaphore_mem>>) {add = true}
            %dma_wait3A_256 = arith.constant 0 : i32
            %dma_wait3A_257 = tpu.memref_slice %arg10[%while3A_225, %dma_wait3A_256] : memref<17x128xi32, #tpu.memory_space<vmem>> -> memref<1x128xi32, #tpu.memory_space<vmem>>
            %dma_wait3A_258 = tpu.memref_squeeze %dma_wait3A_257 : memref<1x128xi32, #tpu.memory_space<vmem>> -> memref<128xi32, #tpu.memory_space<vmem>>
            %dma_wait3A_259 = arith.constant 0 : i32
            %dma_wait3A_260 = arith.constant 0 : i32
            %dma_wait3A_261 = tpu.memref_slice %arg16[%dma_wait3A_259, %dma_wait3A_260] : memref<10112x128xf32, #tpu.memory_space<vmem_shared>> -> memref<10112x128xf32, #tpu.memory_space<vmem_shared>>
            tpu.wait_indirect_dma semaphore(%run_scoped3A : memref<!tpu.dma_semaphore, #tpu.memory_space<semaphore_mem>>) src(%arg11 : memref<128x128xf32, #tpu.memory_space<vmem>>) dst(%dma_wait3A_261 : memref<10112x128xf32, #tpu.memory_space<vmem_shared>>)
            tpu.yield
          }) : () -> ()
          %add3A_244 = arith.constant 2 : i32
          %add3A_245 = arith.addi %while3A_225, %add3A_244 : i32
          %lt3A_246 = arith.cmpi slt, %add3A_245, %select_n3A : i32
          %convert_element_type3A_247 = arith.extui %lt3A_246 : i1 to i32
          %cond3A_248 = arith.constant 0 : i32
          %cond3A_249 = arith.cmpi ne, %convert_element_type3A_247, %cond3A_248 : i32
          scf.if %cond3A_249 {
            %add3A_250 = arith.constant 2 : i32
            %add3A_251 = arith.addi %while3A_225, %add3A_250 : i32
            %mul3A_252 = arith.constant 128 : i32
            %mul3A_253 = arith.muli %add3A_251, %mul3A_252 : i32
            %dma_start3A_254 = tpu.memref_slice %arg8[%mul3A_253] : memref<2176xi32, #tpu.memory_space<vmem>> -> memref<128xi32, #tpu.memory_space<vmem>>
            %dma_start3A_255 = arith.constant 0 : i32
            %dma_start3A_256 = arith.constant 0 : i32
            %dma_start3A_257 = tpu.memref_slice %arg2[%dma_start3A_255, %dma_start3A_256] : memref<20000x128xf32, #tpu.memory_space<hbm>> -> memref<20000x128xf32, #tpu.memory_space<hbm>>
            tpu.enqueue_indirect_dma source(%dma_start3A_257 : memref<20000x128xf32, #tpu.memory_space<hbm>>) target(%arg11 : memref<128x128xf32, #tpu.memory_space<vmem>>) offsets(%dma_start3A_254 : memref<128xi32, #tpu.memory_space<vmem>>) semaphore(%arg13 : memref<!tpu.dma_semaphore, #tpu.memory_space<semaphore_mem>>)
          } else {
          }
        } else {
        }
        %not3A = arith.constant true
        %not3A_234 = arith.xori %eq3A_230, %not3A : i1
        %convert_element_type3A_235 = arith.extui %not3A_234 : i1 to i32
        %cond3A_236 = arith.constant 0 : i32
        %cond3A_237 = arith.cmpi ne, %convert_element_type3A_235, %cond3A_236 : i32
        scf.if %cond3A_237 {
          %dma_wait3A_239 = arith.constant 0 : i32
          %dma_wait3A_240 = tpu.memref_slice %arg8[%dma_wait3A_239] : memref<2176xi32, #tpu.memory_space<vmem>> -> memref<128xi32, #tpu.memory_space<vmem>>
          %dma_wait3A_241 = arith.constant 0 : i32
          %dma_wait3A_242 = arith.constant 0 : i32
          %dma_wait3A_243 = tpu.memref_slice %arg2[%dma_wait3A_241, %dma_wait3A_242] : memref<20000x128xf32, #tpu.memory_space<hbm>> -> memref<20000x128xf32, #tpu.memory_space<hbm>>
          tpu.wait_indirect_dma semaphore(%arg14 : memref<!tpu.dma_semaphore, #tpu.memory_space<semaphore_mem>>) src(%dma_wait3A_243 : memref<20000x128xf32, #tpu.memory_space<hbm>>) dst(%arg12 : memref<128x128xf32, #tpu.memory_space<vmem>>)
          "tpu.region"() ({
            %run_scoped3A = tpu.sem_alloc : memref<!tpu.dma_semaphore, #tpu.memory_space<semaphore_mem>>
            %dma_start3A_250 = arith.constant 0 : i32
            %dma_start3A_251 = tpu.memref_slice %arg10[%while3A_225, %dma_start3A_250] : memref<17x128xi32, #tpu.memory_space<vmem>> -> memref<1x128xi32, #tpu.memory_space<vmem>>
            %dma_start3A_252 = tpu.memref_squeeze %dma_start3A_251 : memref<1x128xi32, #tpu.memory_space<vmem>> -> memref<128xi32, #tpu.memory_space<vmem>>
            %dma_start3A_253 = arith.constant 0 : i32
            %dma_start3A_254 = arith.constant 0 : i32
            %dma_start3A_255 = tpu.memref_slice %arg16[%dma_start3A_253, %dma_start3A_254] : memref<10112x128xf32, #tpu.memory_space<vmem_shared>> -> memref<10112x128xf32, #tpu.memory_space<vmem_shared>>
            tpu.enqueue_indirect_dma source(%arg12 : memref<128x128xf32, #tpu.memory_space<vmem>>) target(%dma_start3A_255 : memref<10112x128xf32, #tpu.memory_space<vmem_shared>>) offsets(%dma_start3A_252 : memref<128xi32, #tpu.memory_space<vmem>>) semaphore(%run_scoped3A : memref<!tpu.dma_semaphore, #tpu.memory_space<semaphore_mem>>) {add = true}
            %dma_wait3A_256 = arith.constant 0 : i32
            %dma_wait3A_257 = tpu.memref_slice %arg10[%while3A_225, %dma_wait3A_256] : memref<17x128xi32, #tpu.memory_space<vmem>> -> memref<1x128xi32, #tpu.memory_space<vmem>>
            %dma_wait3A_258 = tpu.memref_squeeze %dma_wait3A_257 : memref<1x128xi32, #tpu.memory_space<vmem>> -> memref<128xi32, #tpu.memory_space<vmem>>
            %dma_wait3A_259 = arith.constant 0 : i32
            %dma_wait3A_260 = arith.constant 0 : i32
            %dma_wait3A_261 = tpu.memref_slice %arg16[%dma_wait3A_259, %dma_wait3A_260] : memref<10112x128xf32, #tpu.memory_space<vmem_shared>> -> memref<10112x128xf32, #tpu.memory_space<vmem_shared>>
            tpu.wait_indirect_dma semaphore(%run_scoped3A : memref<!tpu.dma_semaphore, #tpu.memory_space<semaphore_mem>>) src(%arg12 : memref<128x128xf32, #tpu.memory_space<vmem>>) dst(%dma_wait3A_261 : memref<10112x128xf32, #tpu.memory_space<vmem_shared>>)
            tpu.yield
          }) : () -> ()
          %add3A_244 = arith.constant 2 : i32
          %add3A_245 = arith.addi %while3A_225, %add3A_244 : i32
          %lt3A_246 = arith.cmpi slt, %add3A_245, %select_n3A : i32
          %convert_element_type3A_247 = arith.extui %lt3A_246 : i1 to i32
          %cond3A_248 = arith.constant 0 : i32
          %cond3A_249 = arith.cmpi ne, %convert_element_type3A_247, %cond3A_248 : i32
          scf.if %cond3A_249 {
            %add3A_250 = arith.constant 2 : i32
            %add3A_251 = arith.addi %while3A_225, %add3A_250 : i32
            %mul3A_252 = arith.constant 128 : i32
            %mul3A_253 = arith.muli %add3A_251, %mul3A_252 : i32
            %dma_start3A_254 = tpu.memref_slice %arg8[%mul3A_253] : memref<2176xi32, #tpu.memory_space<vmem>> -> memref<128xi32, #tpu.memory_space<vmem>>
            %dma_start3A_255 = arith.constant 0 : i32
            %dma_start3A_256 = arith.constant 0 : i32
            %dma_start3A_257 = tpu.memref_slice %arg2[%dma_start3A_255, %dma_start3A_256] : memref<20000x128xf32, #tpu.memory_space<hbm>> -> memref<20000x128xf32, #tpu.memory_space<hbm>>
            tpu.enqueue_indirect_dma source(%dma_start3A_257 : memref<20000x128xf32, #tpu.memory_space<hbm>>) target(%arg12 : memref<128x128xf32, #tpu.memory_space<vmem>>) offsets(%dma_start3A_254 : memref<128xi32, #tpu.memory_space<vmem>>) semaphore(%arg14 : memref<!tpu.dma_semaphore, #tpu.memory_space<semaphore_mem>>)
          } else {
          }
        } else {
        }
        %while3A_238 = arith.constant 0 : i32
        scf.yield %while3A_238 : i32
      }
      %while3A_215 = arith.constant 1 : i32
      %while3A_216 = scf.for %while3A_225 = %while3A_212 to %while3A_208 step %while3A_215 iter_args(%while3A_226 = %while3A_214) -> (i32)  : i32 {
        %and3A_227 = arith.constant 1 : i32
        %and3A_228 = arith.andi %while3A_225, %and3A_227 : i32
        %eq3A_229 = arith.constant 0 : i32
        %eq3A_230 = arith.cmpi eq, %and3A_228, %eq3A_229 : i32
        %convert_element_type3A_231 = arith.extui %eq3A_230 : i1 to i32
        %cond3A_232 = arith.constant 0 : i32
        %cond3A_233 = arith.cmpi ne, %convert_element_type3A_231, %cond3A_232 : i32
        scf.if %cond3A_233 {
          %dma_wait3A_239 = arith.constant 0 : i32
          %dma_wait3A_240 = tpu.memref_slice %arg8[%dma_wait3A_239] : memref<2176xi32, #tpu.memory_space<vmem>> -> memref<128xi32, #tpu.memory_space<vmem>>
          %dma_wait3A_241 = arith.constant 0 : i32
          %dma_wait3A_242 = arith.constant 0 : i32
          %dma_wait3A_243 = tpu.memref_slice %arg2[%dma_wait3A_241, %dma_wait3A_242] : memref<20000x128xf32, #tpu.memory_space<hbm>> -> memref<20000x128xf32, #tpu.memory_space<hbm>>
          tpu.wait_indirect_dma semaphore(%arg13 : memref<!tpu.dma_semaphore, #tpu.memory_space<semaphore_mem>>) src(%dma_wait3A_243 : memref<20000x128xf32, #tpu.memory_space<hbm>>) dst(%arg11 : memref<128x128xf32, #tpu.memory_space<vmem>>)
          "tpu.region"() ({
            %run_scoped3A = tpu.sem_alloc : memref<!tpu.dma_semaphore, #tpu.memory_space<semaphore_mem>>
            %dma_start3A_250 = arith.constant 0 : i32
            %dma_start3A_251 = tpu.memref_slice %arg10[%while3A_225, %dma_start3A_250] : memref<17x128xi32, #tpu.memory_space<vmem>> -> memref<1x128xi32, #tpu.memory_space<vmem>>
            %dma_start3A_252 = tpu.memref_squeeze %dma_start3A_251 : memref<1x128xi32, #tpu.memory_space<vmem>> -> memref<128xi32, #tpu.memory_space<vmem>>
            %dma_start3A_253 = arith.constant 0 : i32
            %dma_start3A_254 = arith.constant 0 : i32
            %dma_start3A_255 = tpu.memref_slice %arg16[%dma_start3A_253, %dma_start3A_254] : memref<10112x128xf32, #tpu.memory_space<vmem_shared>> -> memref<10112x128xf32, #tpu.memory_space<vmem_shared>>
            tpu.enqueue_indirect_dma source(%arg11 : memref<128x128xf32, #tpu.memory_space<vmem>>) target(%dma_start3A_255 : memref<10112x128xf32, #tpu.memory_space<vmem_shared>>) offsets(%dma_start3A_252 : memref<128xi32, #tpu.memory_space<vmem>>) semaphore(%run_scoped3A : memref<!tpu.dma_semaphore, #tpu.memory_space<semaphore_mem>>) {add = true}
            %dma_wait3A_256 = arith.constant 0 : i32
            %dma_wait3A_257 = tpu.memref_slice %arg10[%while3A_225, %dma_wait3A_256] : memref<17x128xi32, #tpu.memory_space<vmem>> -> memref<1x128xi32, #tpu.memory_space<vmem>>
            %dma_wait3A_258 = tpu.memref_squeeze %dma_wait3A_257 : memref<1x128xi32, #tpu.memory_space<vmem>> -> memref<128xi32, #tpu.memory_space<vmem>>
            %dma_wait3A_259 = arith.constant 0 : i32
            %dma_wait3A_260 = arith.constant 0 : i32
            %dma_wait3A_261 = tpu.memref_slice %arg16[%dma_wait3A_259, %dma_wait3A_260] : memref<10112x128xf32, #tpu.memory_space<vmem_shared>> -> memref<10112x128xf32, #tpu.memory_space<vmem_shared>>
            tpu.wait_indirect_dma semaphore(%run_scoped3A : memref<!tpu.dma_semaphore, #tpu.memory_space<semaphore_mem>>) src(%arg11 : memref<128x128xf32, #tpu.memory_space<vmem>>) dst(%dma_wait3A_261 : memref<10112x128xf32, #tpu.memory_space<vmem_shared>>)
            tpu.yield
          }) : () -> ()
          %add3A_244 = arith.constant 2 : i32
          %add3A_245 = arith.addi %while3A_225, %add3A_244 : i32
          %lt3A_246 = arith.cmpi slt, %add3A_245, %select_n3A : i32
          %convert_element_type3A_247 = arith.extui %lt3A_246 : i1 to i32
          %cond3A_248 = arith.constant 0 : i32
          %cond3A_249 = arith.cmpi ne, %convert_element_type3A_247, %cond3A_248 : i32
          scf.if %cond3A_249 {
            %add3A_250 = arith.constant 2 : i32
            %add3A_251 = arith.addi %while3A_225, %add3A_250 : i32
            %mul3A_252 = arith.constant 128 : i32
            %mul3A_253 = arith.muli %add3A_251, %mul3A_252 : i32
            %dma_start3A_254 = tpu.memref_slice %arg8[%mul3A_253] : memref<2176xi32, #tpu.memory_space<vmem>> -> memref<128xi32, #tpu.memory_space<vmem>>
            %dma_start3A_255 = arith.constant 0 : i32
            %dma_start3A_256 = arith.constant 0 : i32
            %dma_start3A_257 = tpu.memref_slice %arg2[%dma_start3A_255, %dma_start3A_256] : memref<20000x128xf32, #tpu.memory_space<hbm>> -> memref<20000x128xf32, #tpu.memory_space<hbm>>
            tpu.enqueue_indirect_dma source(%dma_start3A_257 : memref<20000x128xf32, #tpu.memory_space<hbm>>) target(%arg11 : memref<128x128xf32, #tpu.memory_space<vmem>>) offsets(%dma_start3A_254 : memref<128xi32, #tpu.memory_space<vmem>>) semaphore(%arg13 : memref<!tpu.dma_semaphore, #tpu.memory_space<semaphore_mem>>)
          } else {
          }
        } else {
        }
        %not3A = arith.constant true
        %not3A_234 = arith.xori %eq3A_230, %not3A : i1
        %convert_element_type3A_235 = arith.extui %not3A_234 : i1 to i32
        %cond3A_236 = arith.constant 0 : i32
        %cond3A_237 = arith.cmpi ne, %convert_element_type3A_235, %cond3A_236 : i32
        scf.if %cond3A_237 {
          %dma_wait3A_239 = arith.constant 0 : i32
          %dma_wait3A_240 = tpu.memref_slice %arg8[%dma_wait3A_239] : memref<2176xi32, #tpu.memory_space<vmem>> -> memref<128xi32, #tpu.memory_space<vmem>>
          %dma_wait3A_241 = arith.constant 0 : i32
          %dma_wait3A_242 = arith.constant 0 : i32
          %dma_wait3A_243 = tpu.memref_slice %arg2[%dma_wait3A_241, %dma_wait3A_242] : memref<20000x128xf32, #tpu.memory_space<hbm>> -> memref<20000x128xf32, #tpu.memory_space<hbm>>
          tpu.wait_indirect_dma semaphore(%arg14 : memref<!tpu.dma_semaphore, #tpu.memory_space<semaphore_mem>>) src(%dma_wait3A_243 : memref<20000x128xf32, #tpu.memory_space<hbm>>) dst(%arg12 : memref<128x128xf32, #tpu.memory_space<vmem>>)
          "tpu.region"() ({
            %run_scoped3A = tpu.sem_alloc : memref<!tpu.dma_semaphore, #tpu.memory_space<semaphore_mem>>
            %dma_start3A_250 = arith.constant 0 : i32
            %dma_start3A_251 = tpu.memref_slice %arg10[%while3A_225, %dma_start3A_250] : memref<17x128xi32, #tpu.memory_space<vmem>> -> memref<1x128xi32, #tpu.memory_space<vmem>>
            %dma_start3A_252 = tpu.memref_squeeze %dma_start3A_251 : memref<1x128xi32, #tpu.memory_space<vmem>> -> memref<128xi32, #tpu.memory_space<vmem>>
            %dma_start3A_253 = arith.constant 0 : i32
            %dma_start3A_254 = arith.constant 0 : i32
            %dma_start3A_255 = tpu.memref_slice %arg16[%dma_start3A_253, %dma_start3A_254] : memref<10112x128xf32, #tpu.memory_space<vmem_shared>> -> memref<10112x128xf32, #tpu.memory_space<vmem_shared>>
            tpu.enqueue_indirect_dma source(%arg12 : memref<128x128xf32, #tpu.memory_space<vmem>>) target(%dma_start3A_255 : memref<10112x128xf32, #tpu.memory_space<vmem_shared>>) offsets(%dma_start3A_252 : memref<128xi32, #tpu.memory_space<vmem>>) semaphore(%run_scoped3A : memref<!tpu.dma_semaphore, #tpu.memory_space<semaphore_mem>>) {add = true}
            %dma_wait3A_256 = arith.constant 0 : i32
            %dma_wait3A_257 = tpu.memref_slice %arg10[%while3A_225, %dma_wait3A_256] : memref<17x128xi32, #tpu.memory_space<vmem>> -> memref<1x128xi32, #tpu.memory_space<vmem>>
            %dma_wait3A_258 = tpu.memref_squeeze %dma_wait3A_257 : memref<1x128xi32, #tpu.memory_space<vmem>> -> memref<128xi32, #tpu.memory_space<vmem>>
            %dma_wait3A_259 = arith.constant 0 : i32
            %dma_wait3A_260 = arith.constant 0 : i32
            %dma_wait3A_261 = tpu.memref_slice %arg16[%dma_wait3A_259, %dma_wait3A_260] : memref<10112x128xf32, #tpu.memory_space<vmem_shared>> -> memref<10112x128xf32, #tpu.memory_space<vmem_shared>>
            tpu.wait_indirect_dma semaphore(%run_scoped3A : memref<!tpu.dma_semaphore, #tpu.memory_space<semaphore_mem>>) src(%arg12 : memref<128x128xf32, #tpu.memory_space<vmem>>) dst(%dma_wait3A_261 : memref<10112x128xf32, #tpu.memory_space<vmem_shared>>)
            tpu.yield
          }) : () -> ()
          %add3A_244 = arith.constant 2 : i32
          %add3A_245 = arith.addi %while3A_225, %add3A_244 : i32
          %lt3A_246 = arith.cmpi slt, %add3A_245, %select_n3A : i32
          %convert_element_type3A_247 = arith.extui %lt3A_246 : i1 to i32
          %cond3A_248 = arith.constant 0 : i32
          %cond3A_249 = arith.cmpi ne, %convert_element_type3A_247, %cond3A_248 : i32
          scf.if %cond3A_249 {
            %add3A_250 = arith.constant 2 : i32
            %add3A_251 = arith.addi %while3A_225, %add3A_250 : i32
            %mul3A_252 = arith.constant 128 : i32
            %mul3A_253 = arith.muli %add3A_251, %mul3A_252 : i32
            %dma_start3A_254 = tpu.memref_slice %arg8[%mul3A_253] : memref<2176xi32, #tpu.memory_space<vmem>> -> memref<128xi32, #tpu.memory_space<vmem>>
            %dma_start3A_255 = arith.constant 0 : i32
            %dma_start3A_256 = arith.constant 0 : i32
            %dma_start3A_257 = tpu.memref_slice %arg2[%dma_start3A_255, %dma_start3A_256] : memref<20000x128xf32, #tpu.memory_space<hbm>> -> memref<20000x128xf32, #tpu.memory_space<hbm>>
            tpu.enqueue_indirect_dma source(%dma_start3A_257 : memref<20000x128xf32, #tpu.memory_space<hbm>>) target(%arg12 : memref<128x128xf32, #tpu.memory_space<vmem>>) offsets(%dma_start3A_254 : memref<128xi32, #tpu.memory_space<vmem>>) semaphore(%arg14 : memref<!tpu.dma_semaphore, #tpu.memory_space<semaphore_mem>>)
          } else {
          }
        } else {
        }
        %while3A_238 = arith.constant 0 : i32
        scf.yield %while3A_238 : i32
      }
      %add3A_217 = arith.constant 1 : i32
      %add3A_218 = arith.addi %scan3A_108, %add3A_217 : i32
      %lt3A_219 = arith.constant 10 : i32
      %lt3A_220 = arith.cmpi slt, %add3A_218, %lt3A_219 : i32
      %convert_element_type3A_221 = arith.extui %lt3A_220 : i1 to i32
      %cond3A_222 = arith.constant 0 : i32
      %cond3A_223 = arith.cmpi ne, %convert_element_type3A_221, %cond3A_222 : i32
      scf.if %cond3A_223 {
        %dma_wait3A_225 = arith.constant 0 : i32
        %dma_wait3A_226 = arith.constant 0 : i32
        %dma_wait3A_227 = arith.constant 0 : i32
        %dma_wait3A_228 = tpu.memref_slice %arg6[%dma_wait3A_225, %dma_wait3A_226, %dma_wait3A_227] : memref<2x16x128xi32, #tpu.memory_space<vmem>> -> memref<1x16x128xi32, #tpu.memory_space<vmem>>
        %dma_wait3A_229 = tpu.memref_squeeze %dma_wait3A_228 : memref<1x16x128xi32, #tpu.memory_space<vmem>> -> memref<16x128xi32, #tpu.memory_space<vmem>>
        %dma_wait3A_230 = arith.constant 0 : i32
        %dma_wait3A_231 = arith.constant 0 : i32
        %dma_wait3A_232 = tpu.memref_slice %arg3[%arg1, %dma_wait3A_230, %dma_wait3A_231] : memref<16x160x128xi32, #tpu.memory_space<hbm>> -> memref<1x16x128xi32, #tpu.memory_space<hbm>>
        %dma_wait3A_233 = tpu.memref_squeeze %dma_wait3A_232 : memref<1x16x128xi32, #tpu.memory_space<hbm>> -> memref<16x128xi32, #tpu.memory_space<hbm>>
        %dma_wait3A_234 = arith.constant 0 : i32
        %dma_wait3A_235 = arith.constant 0 : i32
        %dma_wait3A_236 = tpu.memref_slice %arg6[%dma_wait3A_225, %dma_wait3A_234, %dma_wait3A_235] : memref<2x16x128xi32, #tpu.memory_space<vmem>> -> memref<1x16x128xi32, #tpu.memory_space<vmem>>
        %dma_wait3A_237 = tpu.memref_squeeze %dma_wait3A_236 : memref<1x16x128xi32, #tpu.memory_space<vmem>> -> memref<16x128xi32, #tpu.memory_space<vmem>>
        %dma_wait3A_238 = arith.constant 0 : i32
        %dma_wait3A_239 = arith.constant 0 : i32
        %dma_wait3A_240 = tpu.memref_slice %arg3[%arg1, %dma_wait3A_238, %dma_wait3A_239] : memref<16x160x128xi32, #tpu.memory_space<hbm>> -> memref<1x16x128xi32, #tpu.memory_space<hbm>>
        %dma_wait3A_241 = tpu.memref_squeeze %dma_wait3A_240 : memref<1x16x128xi32, #tpu.memory_space<hbm>> -> memref<16x128xi32, #tpu.memory_space<hbm>>
        tpu.wait_dma2 semaphore(%arg15 : memref<!tpu.dma_semaphore, #tpu.memory_space<semaphore_mem>>) src(%dma_wait3A_241 : memref<16x128xi32, #tpu.memory_space<hbm>>) dst(%dma_wait3A_237 : memref<16x128xi32, #tpu.memory_space<vmem>>)
        %dma_wait3A_242 = arith.constant 0 : i32
        %dma_wait3A_243 = arith.constant 0 : i32
        %dma_wait3A_244 = arith.constant 0 : i32
        %dma_wait3A_245 = tpu.memref_slice %arg7[%dma_wait3A_242, %dma_wait3A_243, %dma_wait3A_244] : memref<2x16x128xi32, #tpu.memory_space<vmem>> -> memref<1x16x128xi32, #tpu.memory_space<vmem>>
        %dma_wait3A_246 = tpu.memref_squeeze %dma_wait3A_245 : memref<1x16x128xi32, #tpu.memory_space<vmem>> -> memref<16x128xi32, #tpu.memory_space<vmem>>
        %dma_wait3A_247 = arith.constant 0 : i32
        %dma_wait3A_248 = arith.constant 0 : i32
        %dma_wait3A_249 = tpu.memref_slice %arg4[%arg1, %dma_wait3A_247, %dma_wait3A_248] : memref<16x160x128xi32, #tpu.memory_space<hbm>> -> memref<1x16x128xi32, #tpu.memory_space<hbm>>
        %dma_wait3A_250 = tpu.memref_squeeze %dma_wait3A_249 : memref<1x16x128xi32, #tpu.memory_space<hbm>> -> memref<16x128xi32, #tpu.memory_space<hbm>>
        %dma_wait3A_251 = arith.constant 0 : i32
        %dma_wait3A_252 = arith.constant 0 : i32
        %dma_wait3A_253 = tpu.memref_slice %arg7[%dma_wait3A_242, %dma_wait3A_251, %dma_wait3A_252] : memref<2x16x128xi32, #tpu.memory_space<vmem>> -> memref<1x16x128xi32, #tpu.memory_space<vmem>>
        %dma_wait3A_254 = tpu.memref_squeeze %dma_wait3A_253 : memref<1x16x128xi32, #tpu.memory_space<vmem>> -> memref<16x128xi32, #tpu.memory_space<vmem>>
        %dma_wait3A_255 = arith.constant 0 : i32
        %dma_wait3A_256 = arith.constant 0 : i32
        %dma_wait3A_257 = tpu.memref_slice %arg4[%arg1, %dma_wait3A_255, %dma_wait3A_256] : memref<16x160x128xi32, #tpu.memory_space<hbm>> -> memref<1x16x128xi32, #tpu.memory_space<hbm>>
        %dma_wait3A_258 = tpu.memref_squeeze %dma_wait3A_257 : memref<1x16x128xi32, #tpu.memory_space<hbm>> -> memref<16x128xi32, #tpu.memory_space<hbm>>
        tpu.wait_dma2 semaphore(%arg15 : memref<!tpu.dma_semaphore, #tpu.memory_space<semaphore_mem>>) src(%dma_wait3A_258 : memref<16x128xi32, #tpu.memory_space<hbm>>) dst(%dma_wait3A_254 : memref<16x128xi32, #tpu.memory_space<vmem>>)
      } else {
      }
      %scan3A_224 = arith.constant 0 : i32
      scf.yield %scan3A_224 : i32
    }
    %scan3A_100 = arith.constant 10 : i32
    %barrier3A_101 = arith.constant 0 : index
    tpu.barrier barrier_id(%barrier3A_101)
    %lt3A = arith.constant 15 : i32
    %lt3A_102 = arith.cmpi slt, %arg1, %lt3A : i32
    %convert_element_type3A = arith.extui %lt3A_102 : i1 to i32
    %cond3A = arith.constant 0 : i32
    %cond3A_103 = arith.cmpi ne, %convert_element_type3A, %cond3A : i32
    scf.if %cond3A_103 {
      %mul3A_108 = arith.constant 632 : i32
      %mul3A_109 = arith.muli %arg1, %mul3A_108 : i32
      %mul3A_110 = arith.constant 10000 : i32
      %mul3A_111 = arith.muli %arg0, %mul3A_110 : i32
      %mul3A_112 = arith.constant 632 : i32
      %mul3A_113 = arith.muli %arg1, %mul3A_112 : i32
      %add3A_114 = arith.addi %mul3A_111, %mul3A_113 : i32
      "tpu.region"() ({
        %run_scoped3A = tpu.sem_alloc : memref<!tpu.dma_semaphore, #tpu.memory_space<semaphore_mem>>
        %dma_start3A_115 = arith.constant 0 : i32
        %dma_start3A_116 = tpu.memref_slice %arg5[%add3A_114, %dma_start3A_115] : memref<20000x128xf32, #tpu.memory_space<hbm>> -> memref<632x128xf32, #tpu.memory_space<hbm>>
        %dma_start3A_117 = arith.constant 0 : i32
        %dma_start3A_118 = tpu.memref_slice %arg16[%mul3A_109, %dma_start3A_117] : memref<10112x128xf32, #tpu.memory_space<vmem_shared>> -> memref<632x128xf32, #tpu.memory_space<vmem_shared>>
        tpu.enqueue_dma source(%dma_start3A_118 : memref<632x128xf32, #tpu.memory_space<vmem_shared>>) target(%dma_start3A_116 : memref<632x128xf32, #tpu.memory_space<hbm>>) target_semaphore(%run_scoped3A : memref<!tpu.dma_semaphore, #tpu.memory_space<semaphore_mem>>)
        %dma_wait3A_119 = arith.constant 0 : i32
        %dma_wait3A_120 = tpu.memref_slice %arg5[%add3A_114, %dma_wait3A_119] : memref<20000x128xf32, #tpu.memory_space<hbm>> -> memref<632x128xf32, #tpu.memory_space<hbm>>
        %dma_wait3A_121 = arith.constant 0 : i32
        %dma_wait3A_122 = tpu.memref_slice %arg16[%mul3A_109, %dma_wait3A_121] : memref<10112x128xf32, #tpu.memory_space<vmem_shared>> -> memref<632x128xf32, #tpu.memory_space<vmem_shared>>
        tpu.wait_dma2 semaphore(%run_scoped3A : memref<!tpu.dma_semaphore, #tpu.memory_space<semaphore_mem>>) src(%dma_wait3A_122 : memref<632x128xf32, #tpu.memory_space<vmem_shared>>) dst(%dma_wait3A_120 : memref<632x128xf32, #tpu.memory_space<hbm>>)
        tpu.yield
      }) : () -> ()
    } else {
    }
    %eq3A = arith.constant 15 : i32
    %eq3A_104 = arith.cmpi eq, %arg1, %eq3A : i32
    %convert_element_type3A_105 = arith.extui %eq3A_104 : i1 to i32
    %cond3A_106 = arith.constant 0 : i32
    %cond3A_107 = arith.cmpi ne, %convert_element_type3A_105, %cond3A_106 : i32
    scf.if %cond3A_107 {
      %mul3A_108 = arith.constant 10000 : i32
      %mul3A_109 = arith.muli %arg0, %mul3A_108 : i32
      %add3A_110 = arith.constant 9480 : i32
      %add3A_111 = arith.addi %mul3A_109, %add3A_110 : i32
      "tpu.region"() ({
        %run_scoped3A = tpu.sem_alloc : memref<!tpu.dma_semaphore, #tpu.memory_space<semaphore_mem>>
        %dma_start3A_112 = arith.constant 0 : i32
        %dma_start3A_113 = tpu.memref_slice %arg5[%add3A_111, %dma_start3A_112] : memref<20000x128xf32, #tpu.memory_space<hbm>> -> memref<520x128xf32, #tpu.memory_space<hbm>>
        %dma_start3A_114 = arith.constant 9480 : i32
        %dma_start3A_115 = arith.constant 0 : i32
        %dma_start3A_116 = tpu.memref_slice %arg16[%dma_start3A_114, %dma_start3A_115] : memref<10112x128xf32, #tpu.memory_space<vmem_shared>> -> memref<520x128xf32, #tpu.memory_space<vmem_shared>>
        tpu.enqueue_dma source(%dma_start3A_116 : memref<520x128xf32, #tpu.memory_space<vmem_shared>>) target(%dma_start3A_113 : memref<520x128xf32, #tpu.memory_space<hbm>>) target_semaphore(%run_scoped3A : memref<!tpu.dma_semaphore, #tpu.memory_space<semaphore_mem>>)
        %dma_wait3A_117 = arith.constant 0 : i32
        %dma_wait3A_118 = tpu.memref_slice %arg5[%add3A_111, %dma_wait3A_117] : memref<20000x128xf32, #tpu.memory_space<hbm>> -> memref<520x128xf32, #tpu.memory_space<hbm>>
        %dma_wait3A_119 = arith.constant 9480 : i32
        %dma_wait3A_120 = arith.constant 0 : i32
        %dma_wait3A_121 = tpu.memref_slice %arg16[%dma_wait3A_119, %dma_wait3A_120] : memref<10112x128xf32, #tpu.memory_space<vmem_shared>> -> memref<520x128xf32, #tpu.memory_space<vmem_shared>>
        tpu.wait_dma2 semaphore(%run_scoped3A : memref<!tpu.dma_semaphore, #tpu.memory_space<semaphore_mem>>) src(%dma_wait3A_121 : memref<520x128xf32, #tpu.memory_space<vmem_shared>>) dst(%dma_wait3A_118 : memref<520x128xf32, #tpu.memory_space<hbm>>)
        tpu.yield
      }) : () -> ()
    } else {
    }
    return
  }
}

module attributes {stable_mosaic.version = 14 : i64} {
  func.func @_linear_body(%arg0: i32, %arg1: memref<1000x128xf32, #tpu.memory_space<vmem>>, %arg2: memref<128x128xf32, #tpu.memory_space<vmem>>, %arg3: memref<1x128xf32, #tpu.memory_space<vmem>>, %arg4: memref<1000x1xf32, #tpu.memory_space<vmem>>, %arg5: memref<1000x128xf32, #tpu.memory_space<vmem>>) attributes {dimension_semantics = [#tpu.dimension_semantics<arbitrary>], iteration_bounds = array<i64: 20>, scalar_prefetch = 0 : i64, scratch_operands = 0 : i64, tpu.core_type = #tpu.core_type<tc>, window_params = [{transform_indices = @transform_0, window_bounds = array<i64: 1000, 128>}, {pipeline_mode = #tpu.pipeline_mode<synchronous>, transform_indices = @transform_1, window_bounds = array<i64: 128, 128>}, {pipeline_mode = #tpu.pipeline_mode<synchronous>, transform_indices = @transform_2, window_bounds = array<i64: 1, 128>}, {transform_indices = @transform_3, window_bounds = array<i64: 1000, 1>}, {transform_indices = @transform_4, window_bounds = array<i64: 1000, 128>}]} {
    %get3A = arith.constant 0 : index
    %get3A_0 = arith.constant 0 : index
    %get3A_1 = vector.load %arg1[%get3A, %get3A_0] : memref<1000x128xf32, #tpu.memory_space<vmem>>, vector<1000x128xf32>
    %get3A_2 = arith.constant 0 : index
    %get3A_3 = arith.constant 0 : index
    %get3A_4 = vector.load %arg2[%get3A_2, %get3A_3] : memref<128x128xf32, #tpu.memory_space<vmem>>, vector<128x128xf32>
    %dot_general3A = arith.constant dense<0.000000e+00> : vector<1000x128xf32>
    %dot_general3A_5 = tpu.matmul %get3A_1, %get3A_4, %dot_general3A {dimension_numbers = #tpu.dot_dimension_numbers<[1], [0], [0], [1], [0, 0, 1, 1], [], []>, transpose_lhs_hint = false} : vector<1000x128xf32>, vector<128x128xf32>, vector<1000x128xf32> -> vector<1000x128xf32>
    %get3A_6 = arith.constant 0 : index
    %get3A_7 = arith.constant 0 : index
    %get3A_8 = vector.load %arg3[%get3A_6, %get3A_7] : memref<1x128xf32, #tpu.memory_space<vmem>>, vector<1x128xf32>
    %add3A = vector.broadcast %get3A_8 : vector<1x128xf32> to vector<1000x128xf32>
    %add3A_9 = arith.addf %dot_general3A_5, %add3A : vector<1000x128xf32>
    %get3A_10 = arith.constant 0 : index
    %get3A_11 = arith.constant 0 : index
    %get3A_12 = vector.load %arg4[%get3A_10, %get3A_11] : memref<1000x1xf32, #tpu.memory_space<vmem>>, vector<1000x1xf32>
    %rsqrt3A = math.rsqrt %get3A_12 : vector<1000x1xf32>
    %mul3A = vector.broadcast %rsqrt3A : vector<1000x1xf32> to vector<1000x128xf32>
    %mul3A_13 = arith.mulf %add3A_9, %mul3A : vector<1000x128xf32>
    %swap3A = arith.constant 0 : index
    %swap3A_14 = arith.constant 0 : index
    %swap3A_15 = vector.load %arg5[%swap3A, %swap3A_14] : memref<1000x128xf32, #tpu.memory_space<vmem>>, vector<1000x128xf32>
    tpu.vector_store %arg5[%swap3A, %swap3A_14], %mul3A_13 {strides = array<i32>} : memref<1000x128xf32, #tpu.memory_space<vmem>>, vector<1000x128xf32>,
    return
  }
  func.func @transform_0(%arg0: i32) -> (i32, i32) {
    %c0_i32 = arith.constant 0 : i32
    %c0_i32_0 = arith.constant 0 : i32
    return %arg0, %c0_i32 : i32, i32
  }
  func.func @transform_1(%arg0: i32) -> (i32, i32) {
    %c0_i32 = arith.constant 0 : i32
    %c0_i32_0 = arith.constant 0 : i32
    %c0_i32_1 = arith.constant 0 : i32
    return %c0_i32, %c0_i32_0 : i32, i32
  }
  func.func @transform_2(%arg0: i32) -> (i32, i32) {
    %c0_i32 = arith.constant 0 : i32
    %c0_i32_0 = arith.constant 0 : i32
    %c0_i32_1 = arith.constant 0 : i32
    return %c0_i32, %c0_i32_0 : i32, i32
  }
  func.func @transform_3(%arg0: i32) -> (i32, i32) {
    %c0_i32 = arith.constant 0 : i32
    %c0_i32_0 = arith.constant 0 : i32
    return %arg0, %c0_i32 : i32, i32
  }
  func.func @transform_4(%arg0: i32) -> (i32, i32) {
    %c0_i32 = arith.constant 0 : i32
    %c0_i32_0 = arith.constant 0 : i32
    return %arg0, %c0_i32 : i32, i32
  }
}

module attributes {stable_mosaic.version = 14 : i64} {
  func.func @_finish_body(%arg0: i32, %arg1: memref<1000x128xf32, #tpu.memory_space<vmem>>, %arg2: memref<1000x128xf32, #tpu.memory_space<vmem>>, %arg3: memref<1000x1xf32, #tpu.memory_space<vmem>>, %arg4: memref<1x128xf32, #tpu.memory_space<vmem>>, %arg5: memref<1x128xf32, #tpu.memory_space<vmem>>, %arg6: memref<1000x128xf32, #tpu.memory_space<vmem>>) attributes {dimension_semantics = [#tpu.dimension_semantics<arbitrary>], iteration_bounds = array<i64: 20>, scalar_prefetch = 0 : i64, scratch_operands = 0 : i64, tpu.core_type = #tpu.core_type<tc>, window_params = [{transform_indices = @transform_0, window_bounds = array<i64: 1000, 128>}, {transform_indices = @transform_1, window_bounds = array<i64: 1000, 128>}, {transform_indices = @transform_2, window_bounds = array<i64: 1000, 1>}, {pipeline_mode = #tpu.pipeline_mode<synchronous>, transform_indices = @transform_3, window_bounds = array<i64: 1, 128>}, {pipeline_mode = #tpu.pipeline_mode<synchronous>, transform_indices = @transform_4, window_bounds = array<i64: 1, 128>}, {transform_indices = @transform_5, window_bounds = array<i64: 1000, 128>}]} {
    %get3A = arith.constant 0 : index
    %get3A_0 = arith.constant 0 : index
    %get3A_1 = vector.load %arg3[%get3A, %get3A_0] : memref<1000x1xf32, #tpu.memory_space<vmem>>, vector<1000x1xf32>
    %rsqrt3A = math.rsqrt %get3A_1 : vector<1000x1xf32>
    %get3A_2 = arith.constant 0 : index
    %get3A_3 = arith.constant 0 : index
    %get3A_4 = vector.load %arg1[%get3A_2, %get3A_3] : memref<1000x128xf32, #tpu.memory_space<vmem>>, vector<1000x128xf32>
    %sqrt3A = math.sqrt %get3A_1 : vector<1000x1xf32>
    %mul3A = vector.broadcast %sqrt3A : vector<1000x1xf32> to vector<1000x128xf32>
    %mul3A_5 = arith.mulf %get3A_4, %mul3A : vector<1000x128xf32>
    %get3A_6 = arith.constant 0 : index
    %get3A_7 = arith.constant 0 : index
    %get3A_8 = vector.load %arg2[%get3A_6, %get3A_7] : memref<1000x128xf32, #tpu.memory_space<vmem>>, vector<1000x128xf32>
    %add3A = arith.addf %get3A_8, %mul3A_5 : vector<1000x128xf32>
    %mul3A_9 = vector.broadcast %rsqrt3A : vector<1000x1xf32> to vector<1000x128xf32>
    %mul3A_10 = arith.mulf %mul3A_9, %add3A : vector<1000x128xf32>
    %add3A_11 = arith.addf %mul3A_5, %mul3A_10 : vector<1000x128xf32>
    %reduce_sum3A = arith.constant dense<0.000000e+00> : vector<1000xf32>
    %reduce_sum3A_12 = vector.multi_reduction <add>, %add3A_11, %reduce_sum3A [1] : vector<1000x128xf32> to vector<1000xf32>
    %broadcast_in_dim3A = vector.shape_cast %reduce_sum3A_12 : vector<1000xf32> to vector<1000x1xf32>
    %div3A = arith.constant 1.280000e+02 : f32
    %div3A_13 = vector.broadcast %div3A : f32 to vector<1000x1xf32>
    %div3A_14 = arith.divf %broadcast_in_dim3A, %div3A_13 : vector<1000x1xf32>
    %sub3A = vector.broadcast %div3A_14 : vector<1000x1xf32> to vector<1000x128xf32>
    %sub3A_15 = arith.subf %add3A_11, %sub3A : vector<1000x128xf32>
    %mul3A_16 = arith.mulf %sub3A_15, %sub3A_15 : vector<1000x128xf32>
    %reduce_sum3A_17 = arith.constant dense<0.000000e+00> : vector<1000xf32>
    %reduce_sum3A_18 = vector.multi_reduction <add>, %mul3A_16, %reduce_sum3A_17 [1] : vector<1000x128xf32> to vector<1000xf32>
    %broadcast_in_dim3A_19 = vector.shape_cast %reduce_sum3A_18 : vector<1000xf32> to vector<1000x1xf32>
    %div3A_20 = arith.constant 1.280000e+02 : f32
    %div3A_21 = vector.broadcast %div3A_20 : f32 to vector<1000x1xf32>
    %div3A_22 = arith.divf %broadcast_in_dim3A_19, %div3A_21 : vector<1000x1xf32>
    %add3A_23 = arith.constant 9.99999974E-6 : f32
    %add3A_24 = vector.broadcast %add3A_23 : f32 to vector<1000x1xf32>
    %add3A_25 = arith.addf %div3A_22, %add3A_24 : vector<1000x1xf32>
    %rsqrt3A_26 = math.rsqrt %add3A_25 : vector<1000x1xf32>
    %mul3A_27 = vector.broadcast %rsqrt3A_26 : vector<1000x1xf32> to vector<1000x128xf32>
    %mul3A_28 = arith.mulf %sub3A_15, %mul3A_27 : vector<1000x128xf32>
    %get3A_29 = arith.constant 0 : index
    %get3A_30 = arith.constant 0 : index
    %get3A_31 = vector.load %arg4[%get3A_29, %get3A_30] : memref<1x128xf32, #tpu.memory_space<vmem>>, vector<1x128xf32>
    %mul3A_32 = vector.broadcast %get3A_31 : vector<1x128xf32> to vector<1000x128xf32>
    %mul3A_33 = arith.mulf %mul3A_28, %mul3A_32 : vector<1000x128xf32>
    %get3A_34 = arith.constant 0 : index
    %get3A_35 = arith.constant 0 : index
    %get3A_36 = vector.load %arg5[%get3A_34, %get3A_35] : memref<1x128xf32, #tpu.memory_space<vmem>>, vector<1x128xf32>
    %add3A_37 = vector.broadcast %get3A_36 : vector<1x128xf32> to vector<1000x128xf32>
    %add3A_38 = arith.addf %mul3A_33, %add3A_37 : vector<1000x128xf32>
    %max3A = arith.constant 0.000000e+00 : f32
    %max3A_39 = vector.broadcast %max3A : f32 to vector<1000x128xf32>
    %max3A_40 = arith.maximumf %add3A_38, %max3A_39 : vector<1000x128xf32>
    %swap3A = arith.constant 0 : index
    %swap3A_41 = arith.constant 0 : index
    %swap3A_42 = vector.load %arg6[%swap3A, %swap3A_41] : memref<1000x128xf32, #tpu.memory_space<vmem>>, vector<1000x128xf32>
    tpu.vector_store %arg6[%swap3A, %swap3A_41], %max3A_40 {strides = array<i32>} : memref<1000x128xf32, #tpu.memory_space<vmem>>, vector<1000x128xf32>,
    return
  }
  func.func @transform_0(%arg0: i32) -> (i32, i32) {
    %c0_i32 = arith.constant 0 : i32
    %c0_i32_0 = arith.constant 0 : i32
    return %arg0, %c0_i32 : i32, i32
  }
  func.func @transform_1(%arg0: i32) -> (i32, i32) {
    %c0_i32 = arith.constant 0 : i32
    %c0_i32_0 = arith.constant 0 : i32
    return %arg0, %c0_i32 : i32, i32
  }
  func.func @transform_2(%arg0: i32) -> (i32, i32) {
    %c0_i32 = arith.constant 0 : i32
    %c0_i32_0 = arith.constant 0 : i32
    return %arg0, %c0_i32 : i32, i32
  }
  func.func @transform_3(%arg0: i32) -> (i32, i32) {
    %c0_i32 = arith.constant 0 : i32
    %c0_i32_0 = arith.constant 0 : i32
    %c0_i32_1 = arith.constant 0 : i32
    return %c0_i32, %c0_i32_0 : i32, i32
  }
  func.func @transform_4(%arg0: i32) -> (i32, i32) {
    %c0_i32 = arith.constant 0 : i32
    %c0_i32_0 = arith.constant 0 : i32
    %c0_i32_1 = arith.constant 0 : i32
    return %c0_i32, %c0_i32_0 : i32, i32
  }
  func.func @transform_5(%arg0: i32) -> (i32, i32) {
    %c0_i32 = arith.constant 0 : i32
    %c0_i32_0 = arith.constant 0 : i32
    return %arg0, %c0_i32 : i32, i32
  }
}

</mosaic_0001>

<sc_bundles>
// kernel: kernel.6.cloned.1.call-start
scs
__scs_entry_jumppad:
0x0: {  	(pc) =	sbr.rel $0x88, $3  }
0x1: {  	(tag) =	ssettag $0x0;
	lr =	simm.s32 $0x1  }
0x2: {  	[smem:$0x3F9B] =	sst lr;
	_ =	strace $0xD0000000  }
0x3: {  	_ = 	snop  }
0x4: {  	_ = 	snop  }
0x5: {  	_ = 	snop  }
0x6: {  	_ = 	snop  }
0x7: {  	_ = 	snop  }
__scs_overlays_trampoline_lowered:
0x8: {  	[smem:$0x3FAA] =	sst s0  }
0x9: {  	[smem:$0x3FAB] =	sst s1  }
0xa: {  	[smem:$0x3FAC] =	sst s2  }
0xb: {  	[smem:$0x3FAD] =	sst s3  }
0xc: {  	[smem:$0x3FAE] =	sst s4  }
0xd: {  	[smem:$0x3FAF] =	sst s5  }
0xe: {  	[smem:$0x3FB0] =	sst s6  }
0xf: {  	[smem:$0x3FB1] =	sst s7  }
0x10: {  	[smem:$0x3FB2] =	sst s8  }
0x11: {  	[smem:$0x3FB3] =	sst s9;
	s0 =	simm.s32 @!p0 $0x0  }
0x12: {  	s1 =	sld [smem:$0x3F99];
	s0 =	simm.s32 @p0 $0x1  }
0x13: {  	[smem:$0x3FB4] =	sst s0;
	s0 =	simm.s32 @!p1 $0x0  }
0x14: {  	s2 =	sld [smem:$0x3F98];
	s0 =	simm.s32 @p1 $0x1  }
0x15: {  	[smem:$0x3FB5] =	sst s0;
	s0 =	simm.s32 @!p2 $0x0  }
0x16: {  	s3 =	sld [smem:$0x3FDB];
	s0 =	simm.s32 @p2 $0x1  }
0x17: {  	s4 =	simm.s32 $0x1BF5;
	[smem:$0x3FB7] =	sst s0  }
0x18: {  	s0 =	sld [smem:$0x3F9A];
	_ =	swait.ge [sflag:s4], $0x0  }
0x19: {  	s7 =	sld [smem:$0x3F9B]  }
0x1a: {  	s8 =	sadd.s32 $0xFFFFE003, lr  }
0x1b: {  	s9 =	sadd.s32 $0xFFFFFEF7, lr;
	s5 =	simm.s32 $0xFFFFFFFF;
	p2 =	slt.u32 s8, $0xFFFFF086  }
0x1c: {  	p1 =	slt.u32 s9, $0xF7A;
	s5 =	simm.s32 @!p2 $0x0  }
0x1d: {  	s5 =	simm.s32 @p1 $0x1;
	p0 =	seq.s32 s7, s2  }
0x1e: {  	s7 =	smul.u32 @!p0 $0xF7A, s2;
	p2 =	seq.s32 @!p0 s5, $0x0  }
0x1f: {  	s9 =	smul.u32 $0xF7A, s1;
	s8 =	simm.s32 @!p0 $0x1BF5;
	p2 =	por !p2, p0  }
0x20: {  	[sflag:s8] =	ssyncset.s32 @!p0 $0xFFFFF086;
	s6 =	sadd.s32 @!p0 s3, s7;
	s7 =	simm.s32 @!p0 $0x108  }
0x21: {  	s3 =	sadd.s32 s3, s9;
	s6 =	sadd.s32 @!p0 $0x88, s6;
	s7 =	simm.s32 @p2 $0x1082  }
0x22: {  	[simem:s7], [sflag:s8] =	dma.local @!p0 [hbm:s6], $0xF7A  }
0x23: {  	s9 =	sor.u32 $0xD0000000, s2;
	s6 =	simm.s32 $0x108;
	_ =	swait.ge @!p0 [sflag:s8], $0x0  }
0x24: {  	s3 =	sadd.s32 $0x88, s3;
	s6 =	simm.s32 @!p1 $0x1082;
	[sflag:s4] =	ssyncset.s32 $0xFFFFF086  }
0x25: {  	[simem:s6], [sflag:s4] =	dma.local [hbm:s3], $0xF7A  }
0x26: {  	[smem:$0x3F9B] =	sst s1;
	(tag) =	ssettag s2;
	_ =	strace s9  }
0x27: {  	s1 =	sld [smem:$0x3FAB]  }
0x28: {  	s2 =	sld [smem:$0x3FAC]  }
0x29: {  	s4 =	sld [smem:$0x3FAE]  }
0x2a: {  	p0 =	seq.s32 s5, $0x0;
	s5 =	sld [smem:$0x3FAF]  }
0x2b: {  	s6 =	sld [smem:$0x3FB0]  }
0x2c: {  	s7 =	sld [smem:$0x3FB1]  }
0x2d: {  	s3 =	simm.s32 $0x108;
	s8 =	sld [smem:$0x3FB2]  }
0x2e: {  	s3 =	simm.s32 @!p0 $0x1082;
	s9 =	sld [smem:$0x3FB3]  }
0x2f: {  	lr =	sadd.s32 s0, s3;
	s0 =	sld [smem:$0x3FAA]  }
0x30: {  	s3 =	sld [smem:$0x3FAD]  }
0x31: {  	[smem:$0x3FB6] =	sst s10  }
0x32: {  	s10 =	sld [smem:$0x3FB4];
	_ =	sdelay $0x3  }
0x33: {  	p0 =	seq.s32 s10, $0x1;
	s10 =	sld [smem:$0x3FB6];
	_ =	sdelay $0x3  }
0x34: {  	[smem:$0x3FB6] =	sst s10  }
0x35: {  	s10 =	sld [smem:$0x3FB5];
	_ =	sdelay $0x3  }
0x36: {  	p1 =	seq.s32 s10, $0x1;
	s10 =	sld [smem:$0x3FB6];
	_ =	sdelay $0x3  }
0x37: {  	[smem:$0x3FB6] =	sst s10  }
0x38: {  	s10 =	sld [smem:$0x3FB7]  }
0x39: {  	_ = 	snop;
	(pc) =	sbr.ind lr, $3  }
0x3a: {  	_ = 	snop  }
0x3b: {  	_ = 	snop  }
0x3c: {  	p2 =	seq.s32 s10, $0x1;
	s10 =	sld [smem:$0x3FB6]  }
0x3d: {  	_ =	shalt  }
0x3e: {  	_ =	shalt  }
0x3f: {  	_ =	shalt  }
0x40: {  	_ =	shalt  }
0x41: {  	_ =	shalt  }
0x42: {  	_ =	shalt  }
0x43: {  	_ =	shalt  }
0x44: {  	_ =	shalt  }
0x45: {  	_ =	shalt  }
0x46: {  	_ =	shalt  }
0x47: {  	_ =	shalt  }
0x48: {  	_ =	shalt  }
0x49: {  	_ =	shalt  }
0x4a: {  	_ =	shalt  }
0x4b: {  	_ =	shalt  }
0x4c: {  	_ =	shalt  }
0x4d: {  	_ =	shalt  }
0x4e: {  	_ =	shalt  }
0x4f: {  	_ =	shalt  }
0x50: {  	_ =	shalt  }
0x51: {  	_ =	shalt  }
0x52: {  	_ =	shalt  }
0x53: {  	_ =	shalt  }
0x54: {  	_ =	shalt  }
0x55: {  	_ =	shalt  }
0x56: {  	_ =	shalt  }
0x57: {  	_ =	shalt  }
0x58: {  	_ =	shalt  }
0x59: {  	_ =	shalt  }
0x5a: {  	_ =	shalt  }
0x5b: {  	_ =	shalt  }
0x5c: {  	_ =	shalt  }
0x5d: {  	_ =	shalt  }
0x5e: {  	_ =	shalt  }
0x5f: {  	_ =	shalt  }
0x60: {  	_ =	shalt  }
0x61: {  	_ =	shalt  }
0x62: {  	_ =	shalt  }
0x63: {  	_ =	shalt  }
0x64: {  	_ =	shalt  }
0x65: {  	_ =	shalt  }
0x66: {  	_ =	shalt  }
0x67: {  	_ =	shalt  }
0x68: {  	_ =	shalt  }
0x69: {  	_ =	shalt  }
0x6a: {  	_ =	shalt  }
0x6b: {  	_ =	shalt  }
0x6c: {  	_ =	shalt  }
0x6d: {  	_ =	shalt  }
0x6e: {  	_ =	shalt  }
0x6f: {  	_ =	shalt  }
0x70: {  	_ =	shalt  }
0x71: {  	_ =	shalt  }
0x72: {  	_ =	shalt  }
0x73: {  	_ =	shalt  }
0x74: {  	_ =	shalt  }
0x75: {  	_ =	shalt  }
0x76: {  	_ =	shalt  }
0x77: {  	_ =	shalt  }
0x78: {  	_ =	shalt  }
0x79: {  	_ =	shalt  }
0x7a: {  	_ =	shalt  }
0x7b: {  	_ =	shalt  }
0x7c: {  	_ =	shalt  }
0x7d: {  	_ =	shalt  }
0x7e: {  	_ =	shalt  }
0x7f: {  	_ =	shalt  }
0x80: {  	_ =	shalt  }
0x81: {  	_ =	shalt  }
0x82: {  	_ =	shalt  }
0x83: {  	_ =	shalt  }
0x84: {  	_ =	shalt  }
0x85: {  	_ =	shalt  }
0x86: {  	_ =	shalt  }
0x87: {  	_ =	shalt  }
.Lfunc_end0:
.L_simem_size_0:
called_computation_lowered:
.L_overlay_start_0:
0x88: {  	s2 =	sld [smem:$0x3FD9]  }
0x89: {  	s3 =	sld [smem:$0x3FFE];
	_ =	sdelay $0x1  }
0x8a: {  	s1 =	srdreg.scid  }
0x8b: {  	s0 =	sand.u32 $0x1, s1  }
0x8c: {  	s17 =	sshll.u32 s0, $0xA;
	s2 =	sadd.s32 s3, s2  }
0x8d: {  	s2 =	sadd.s32 s2, s17  }
0x8e: {  	[smem:$0x3FC2] =	sst s2  }
0x8f: {  	_ = 	snop  }
0x90: {  	s2 =	sld [smem:$0x3FD0];
	(tm) =	ssettm $0x1  }
0x91: {  	s18 =	sld [smem:$0x3FFB];
	_ =	sdelay $0x3  }
0x92: {  	_ =	strace s18  }
0x93: {  	s3 =	sld [smem:$0x3FFC];
	_ =	sdelay $0x3  }
0x94: {  	_ =	strace s3  }
0x95: {  	s3 =	sld [smem:$0x3FFD];
	_ =	sdelay $0x3  }
0x96: {  	_ =	strace s3  }
0x97: {  	_ =	strace $0x8FFFFFFF  }
0x98: {  	s19 =	sld [smem:$0x3FDB];
	_ =	sdelay $0x1  }
0x99: {  	s4 =	simm.s32 $_scs_section_size  }
0x9a: {  	s5 =	simm.s32 $_size__tile_overlayer_lowered;
	s6 =	simm.s32 $_tile_overlayer_lowered  }
0x9b: {  	s22 =	simm.s32 $0x1BFF;
	s21 =	sshll.u32 s6, $0x1;
	s3 =	sadd.s32 s4, s19  }
0x9c: {  	s7 =	simm.s32 $0x0;
	s20 =	sshll.u32 s5, $0x1;
	s5 =	sadd.s32 s21, s3  }
0x9d: {  	[timem:s7], [sflag:s22] =	dma.local [hbm:s5], s20  }
0x9e: {  	_ =	swait.ge [sflag:s22], s20  }
0x9f: {  	s4 =	ssub.s32 $0x0, s20;
	[sflag:s22] =	ssyncset.done $0x0  }
0xa0: {  	[sflag:s22] =	ssyncadd.s32 s4;
	_ =	sdelay $0x1  }
0xa1: {  	s23 =	simm.s32 $0x1B8B  }
0xa2: {  	_ =	swait.ge [sflag:s23], $0x1  }
0xa3: {  	[sflag:s23] =	ssyncset.done $0x0  }
0xa4: {  	s25 =	simm.s32 $0x1B8E;
	s24 =	sld [smem:$0x3FFE];
	[sflag:s23] =	ssyncadd.s32 $0xFFFFFFFF  }
0xa5: {  	s26 =	simm.s32 $execute0_lowered;
	[smem:$0x3FD2] =	sst s25  }
0xa6: {  	s5 =	sshll.u32 s26, $0x1;
	_ =	strace $0x80000046;
	[dreg:$0x1] =	wrdreg $0xFFFFFFFF  }
0xa7: {  	s28 =	simm.s32 $_size_execute0_lowered;
	s3 =	sadd.s32 s3, s5;
	[dreg:$0x0] =	wrdreg $0x0  }
0xa8: {  	s5 =	sshll.u32 s28, $0x1;
	[dreg:$0x2] =	wrdreg s3  }
0xa9: {  	[dreg:$0x3] =	wrdreg s5  }
0xaa: {  	[dreg:$0x4] =	wrdreg $0xC0  }
0xab: {  	_ =	task [dreg:s7], $0x5FFFF  }
0xac: {  	[dreg:$0x1] =	wrdreg $0xFFFFFFFF  }
0xad: {  	[dreg:$0x0] =	wrdreg $0x60  }
0xae: {  	[dreg:$0x2] =	wrdreg s24  }
0xaf: {  	[dreg:$0x3] =	wrdreg s2  }
0xb0: {  	[dreg:$0x4] =	wrdreg $0x2D800  }
0xb1: {  	[dreg:$0x5] =	wrdreg $0x9  }
0xb2: {  	_ =	task.clear_ibuf [dreg:s7], $0x6FFFF;
	_ =	strace $0x90000046  }
0xb3: {  	s29 =	simm.s32 $0x9;
	_ =	strace $0x80000048  }
0xb4: {  	_ =	swait.ge [sflag:s29], $0x1  }
0xb5: {  	[sflag:s29] =	ssyncadd.s32 $0xFFFFFFFF  }
0xb6: {  	_ =	strace $0x90000048  }
0xb7: {  	_ =	sfence  }
0xb8: {  	s30 =	sld [smem:$0x0];
	_ =	sdelay $0x2  }
0xb9: {  	s31 =	sshll.u32 s1, $0xD;
	s1 =	sshrl.u32 s1, $0x2  }
0xba: {  	s3 =	sand.u32 $0x4000, s31;
	s1 =	sadd.s32 s1, s30  }
0xbb: {  	s0 =	sor.u32 s3, s0;
	s1 =	sshll.u32 s1, $0x11  }
0xbc: {  	s0 =	sor.u32 s1, s0  }
0xbd: {  	s0 =	sadd.s32 $0x8F2B, s0  }
0xbe: {  	[sflag:s0] =	ssyncadd.remote.s32 $0x1  }
0xbf: {  	_ =	sfence.sel $0xFFFF  }
0xc0: {  	[dreg:$0x0] =	wrdreg $0xFFFFFFFF;
	(pc) =	sbr.abs _section_cstart, $3  }
0xc1: {  	[dreg:$0x1] =	wrdreg $0xFFFFFFFF  }
0xc2: {  	_ =	task.clear_ibuf [dreg:s7], $0x2FFFF;
	_ =	strace $0x9FFFFFFF  }
0xc3: {  	(tm) =	ssettm $0x7FFFFFFF  }
tec
execute0_lowered:
.L_overlay_start_1:
0x0: {  	(tag) =	ssettag $0x1  }
0x1: {  	s3 =	rddreg [dreg:$0x0]  }
0x2: {  	s5 =	rddreg [dreg:$0x1];
	s0 =	srdreg.scid  }
0x3: {  	s1 =	rddreg [dreg:$0x2];
	s9 =	stileid.u32  }
0x4: {  	s2 =	simm.s32 $0x0;
	s4 =	sand.u32 $0x1, s0;
	s0 =	rddreg [dreg:$0x3]  }
0x5: {  	s8 =	smul.u32 $0x13C0, s9;
	[smem:$0x7FF] =	sst s2;
	p0 =	sne.s32 s9, $0x0  }
0x6: {  	s6 =	sshll.u32 s4, $0x4;
	s4 =	ssub.s32 $0x2, s4;
	_ =	strace $0x80000047  }
0x7: {  	s11 =	sshrl.u32 @!p0 s1, $0x3;
	s7 =	sor.u32 s9, s6;
	s10 =	sshrl.u32 s4, $0x1  }
0x8: {  	s8 =	sshrl.u32 s8, $0x2;
	s7 =	smul.u32 $0x500, s7;
	s10 =	ssub.s32 s4, s10  }
0x9: {  	s5 =	sadd.s32 s5, s6;
	s9 =	simm.s32 $0x80;
	s6 =	smax.u32 s10, $0x1  }
0xa: {  	s10 =	simm.s32 $0x2800;
	s7 =	sadd.s32 s7, s3;
	s3 =	sadd.s32 s8, s1  }
0xb: {  	v0 =	vimm.f32 $1.000000000e+00;
	v1 =	vimm.f32 $0.0e+00;
	s8 =	simm.s32 $0x1;
	s4 =	sadd.s32 $0x2800, s7;
	s7 =	simm.s32 $0x2880  }
.LBB2_1:
0xc: {  	[tilespmem:$0x2800] =	vst v0  }
0xd: {  	[tilespmem:$0x2810] =	vst v0  }
0xe: {  	[tilespmem:$0x2820] =	vst v0  }
0xf: {  	[tilespmem:$0x2830] =	vst v0  }
0x10: {  	[tilespmem:$0x2840] =	vst v0  }
0x11: {  	[tilespmem:$0x2850] =	vst v0  }
0x12: {  	[tilespmem:$0x2860] =	vst v0  }
0x13: {  	[tilespmem:$0x2870] =	vst v0;
	s12 =	simm.s32 $0x40;
	s13 =	simm.s32 $0x0  }
.LBB2_2:
0x14: {  	p1 =	sne.s32 s12, $0x1380;
	[tilespmem:s13+$0x2880] =	vst v1;
	s13 =	smov.u32 s12;
	s12 =	sadd.s32 $0x40, s12  }
.Ltmp0:
0x15: {  	(pc) =	sbr.rel @p1 .LBB2_2-.Ltmp0, $2  }
0x16: {  	_ =	sdelay $0x2  }
0x17: {  	s13 =	sshra.s32 s13, $0x2  }
0x18: {  	[tilespmem:s13+$0x2880] =	vst v1  }
0x19: {  	[spmem:s3] =	stream.linear.scatter [tilespmem:s7], [sflag:$0x1], $0x4F0, $0x38;
	[tilespmem:$0x3270] =	vst v63  }
0x1a: {  	_ =	swait.ge [sflag:s8], $0x4F0  }
0x1b: {  	[sflag:s8] =	ssyncset.done $0x0  }
0x1c: {  	s12 =	simm.s32 $0x0;
	[sflag:s8] =	ssyncadd.s32 $0xFFFFFB10  }
0x1d: {  	[tilespmem:s12], [sflag:$0x1] =	stream.linear.gather [hbm4b:s4+s12], $0x2800, $0x38;
	[tilespmem:$0x3270] =	vst v63  }
0x1e: {  	_ =	swait.ge [sflag:s8], $0x2800  }
0x1f: {  	[sflag:s8] =	ssyncset.done $0x0  }
0x20: {  	[sflag:s8] =	ssyncadd.s32 $0xFFFFD800  }
0x21: {  	s31 =	simm.s32 $0x0;
	[bflag:$0x0] =	sbarrier.arrive $0xFFFF  }
0x22: {  	[spmem:s1] =	stream.indirect.scatter.add.f32 [tilespmem:s10], [sflag:$0x1], $0x1, s31, s9, $0xb8;
	[tilespmem:$0x3270] =	vst v63  }
0x23: {  	_ =	swait.ge [sflag:s8], $0x80  }
0x24: {  	s12 =	simm.s32 $0x200;
	[sflag:s8] =	ssyncset.done $0x0  }
.LBB2_4:
0x25: {  	s13 =	sshra.s32 s12, $0x2;
	[sflag:s8] =	ssyncadd.s32 $0xFFFFFF80;
	p1 =	sne.s32 s12, $0x9E00  }
0x26: {  	[spmem:s1] =	stream.indirect.scatter.add.f32 [tilespmem:s10], [sflag:$0x1], $0x1, s13, s9, $0xb8;
	[tilespmem:$0x3270] =	vst v63  }
.Ltmp1:
0x27: {  	_ = 	snop;
	(pc) =	sbr.rel @p1 .LBB2_4-.Ltmp1, $4  }
0x28: {  	_ = 	snop  }
0x29: {  	s12 =	sadd.s32 $0x200, s12  }
0x2a: {  	_ =	swait.ge [sflag:s8], $0x80  }
0x2b: {  	[sflag:s8] =	ssyncset.done $0x0  }
0x2c: {  	[sflag:s8] =	ssyncadd.s32 $0xFFFFFF80;
	s12 =	simm.s32 @!p0 $0x1;
	s2 =	sadd.s32 $0x1, s2  }
0x2d: {  	s13 =	simm.s32 @!p0 $0x20;
	s14 =	simm.s32 @!p0 $0x10;
	p1 =	sne.s32 s2, s6  }
.Ltmp2:
0x2e: {  	s15 =	simm.s32 @!p0 $0x1C01;
	[bflag:$0x0] =	sbarrier.arrive $0xFFFF;
	(pc) =	sbr.rel @p1 .LBB2_1-.Ltmp2, $4  }
0x2f: {  	[hbm:s5@s13], [sflag:s15] =	dma.strided @!p0 [spmem:s11@s14], $0x9E0, s12, $0x10   }
0x30: {  	_ =	swait.ge @!p0 [sflag:s12], $0x9E0  }
0x31: {  	[sflag:s12] =	ssyncset.done @!p0 $0x0  }
0x32: {  	[sflag:s12] =	ssyncadd.s32 @!p0 $0xFFFFF620  }
0x33: {  	_ =	sfence.sel $0x180000  }
0x34: {  	[bflag:$0x0] =	sbarrier.arrive $0xFFFF  }
0x35: {  	_ =	strace $0x90000047  }
0x36: {  	s0 =	sadd.s32 @!p0 $0x100000, s0;
	[bflag:$0x2] =	sbarrier.arrive $0xFFFF  }
0x37: {  	[sflag:s0] =	ssyncadd.tile.s32 @!p0 $0x1;
	_ =	shalt  }
.Lfunc_end2:
_tile_overlayer_lowered:
.L_overlay_start_2:
0x38: {  	(tag) =	ssettag $0x2  }
0x39: {  	s0 =	rddreg [dreg:$0x0];
	s2 =	stileid.u32  }
0x3a: {  	s1 =	rddreg [dreg:$0x1];
	p0 =	sne.s32 s2, $0x0  }
0x3b: {  	s3 =	rddreg [dreg:$0x2];
	[bflag:$0x3] =	sbarrier.arrive $0xFFFF;
	s2 =	simm.s32 @!p0 $0x1C01  }
0x3c: {  	[timem:s3], [sflag:s2] =	dma.local @!p0 [hbm:s0], s1  }
0x3d: {  	s0 =	simm.s32 @!p0 $0x1  }
0x3e: {  	_ =	swait.ge @!p0 [sflag:s0], s1  }
0x3f: {  	s1 =	ssub.s32 @!p0 $0x0, s1;
	[sflag:s0] =	ssyncset.done @!p0 $0x0  }
0x40: {  	[sflag:s0] =	ssyncadd.s32 @!p0 s1  }
0x41: {  	[bflag:$0x3] =	sbarrier.arrive $0xFFFF  }
0x42: {  	_ =	shalt  }

// kernel: kernel.9.cloned.1.call-start
scs
__scs_entry_jumppad:
0x0: {  	(pc) =	sbr.rel $0x88, $3  }
0x1: {  	(tag) =	ssettag $0x0;
	lr =	simm.s32 $0x1  }
0x2: {  	[smem:$0x3F9B] =	sst lr;
	_ =	strace $0xD0000000  }
0x3: {  	_ = 	snop  }
0x4: {  	_ = 	snop  }
0x5: {  	_ = 	snop  }
0x6: {  	_ = 	snop  }
0x7: {  	_ = 	snop  }
__scs_overlays_trampoline_lowered:
0x8: {  	[smem:$0x3FAA] =	sst s0  }
0x9: {  	[smem:$0x3FAB] =	sst s1  }
0xa: {  	[smem:$0x3FAC] =	sst s2  }
0xb: {  	[smem:$0x3FAD] =	sst s3  }
0xc: {  	[smem:$0x3FAE] =	sst s4  }
0xd: {  	[smem:$0x3FAF] =	sst s5  }
0xe: {  	[smem:$0x3FB0] =	sst s6  }
0xf: {  	[smem:$0x3FB1] =	sst s7  }
0x10: {  	[smem:$0x3FB2] =	sst s8  }
0x11: {  	[smem:$0x3FB3] =	sst s9;
	s0 =	simm.s32 @!p0 $0x0  }
0x12: {  	s1 =	sld [smem:$0x3F99];
	s0 =	simm.s32 @p0 $0x1  }
0x13: {  	[smem:$0x3FB4] =	sst s0;
	s0 =	simm.s32 @!p1 $0x0  }
0x14: {  	s2 =	sld [smem:$0x3F98];
	s0 =	simm.s32 @p1 $0x1  }
0x15: {  	[smem:$0x3FB5] =	sst s0;
	s0 =	simm.s32 @!p2 $0x0  }
0x16: {  	s3 =	sld [smem:$0x3FDB];
	s0 =	simm.s32 @p2 $0x1  }
0x17: {  	s4 =	simm.s32 $0x1BF5;
	[smem:$0x3FB7] =	sst s0  }
0x18: {  	s0 =	sld [smem:$0x3F9A];
	_ =	swait.ge [sflag:s4], $0x0  }
0x19: {  	s7 =	sld [smem:$0x3F9B]  }
0x1a: {  	s8 =	sadd.s32 $0xFFFFE003, lr  }
0x1b: {  	s9 =	sadd.s32 $0xFFFFFEF7, lr;
	s5 =	simm.s32 $0xFFFFFFFF;
	p2 =	slt.u32 s8, $0xFFFFF086  }
0x1c: {  	p1 =	slt.u32 s9, $0xF7A;
	s5 =	simm.s32 @!p2 $0x0  }
0x1d: {  	s5 =	simm.s32 @p1 $0x1;
	p0 =	seq.s32 s7, s2  }
0x1e: {  	s7 =	smul.u32 @!p0 $0xF7A, s2;
	p2 =	seq.s32 @!p0 s5, $0x0  }
0x1f: {  	s9 =	smul.u32 $0xF7A, s1;
	s8 =	simm.s32 @!p0 $0x1BF5;
	p2 =	por !p2, p0  }
0x20: {  	[sflag:s8] =	ssyncset.s32 @!p0 $0xFFFFF086;
	s6 =	sadd.s32 @!p0 s3, s7;
	s7 =	simm.s32 @!p0 $0x108  }
0x21: {  	s3 =	sadd.s32 s3, s9;
	s6 =	sadd.s32 @!p0 $0x88, s6;
	s7 =	simm.s32 @p2 $0x1082  }
0x22: {  	[simem:s7], [sflag:s8] =	dma.local @!p0 [hbm:s6], $0xF7A  }
0x23: {  	s9 =	sor.u32 $0xD0000000, s2;
	s6 =	simm.s32 $0x108;
	_ =	swait.ge @!p0 [sflag:s8], $0x0  }
0x24: {  	s3 =	sadd.s32 $0x88, s3;
	s6 =	simm.s32 @!p1 $0x1082;
	[sflag:s4] =	ssyncset.s32 $0xFFFFF086  }
0x25: {  	[simem:s6], [sflag:s4] =	dma.local [hbm:s3], $0xF7A  }
0x26: {  	[smem:$0x3F9B] =	sst s1;
	(tag) =	ssettag s2;
	_ =	strace s9  }
0x27: {  	s1 =	sld [smem:$0x3FAB]  }
0x28: {  	s2 =	sld [smem:$0x3FAC]  }
0x29: {  	s4 =	sld [smem:$0x3FAE]  }
0x2a: {  	p0 =	seq.s32 s5, $0x0;
	s5 =	sld [smem:$0x3FAF]  }
0x2b: {  	s6 =	sld [smem:$0x3FB0]  }
0x2c: {  	s7 =	sld [smem:$0x3FB1]  }
0x2d: {  	s3 =	simm.s32 $0x108;
	s8 =	sld [smem:$0x3FB2]  }
0x2e: {  	s3 =	simm.s32 @!p0 $0x1082;
	s9 =	sld [smem:$0x3FB3]  }
0x2f: {  	lr =	sadd.s32 s0, s3;
	s0 =	sld [smem:$0x3FAA]  }
0x30: {  	s3 =	sld [smem:$0x3FAD]  }
0x31: {  	[smem:$0x3FB6] =	sst s10  }
0x32: {  	s10 =	sld [smem:$0x3FB4];
	_ =	sdelay $0x3  }
0x33: {  	p0 =	seq.s32 s10, $0x1;
	s10 =	sld [smem:$0x3FB6];
	_ =	sdelay $0x3  }
0x34: {  	[smem:$0x3FB6] =	sst s10  }
0x35: {  	s10 =	sld [smem:$0x3FB5];
	_ =	sdelay $0x3  }
0x36: {  	p1 =	seq.s32 s10, $0x1;
	s10 =	sld [smem:$0x3FB6];
	_ =	sdelay $0x3  }
0x37: {  	[smem:$0x3FB6] =	sst s10  }
0x38: {  	s10 =	sld [smem:$0x3FB7]  }
0x39: {  	_ = 	snop;
	(pc) =	sbr.ind lr, $3  }
0x3a: {  	_ = 	snop  }
0x3b: {  	_ = 	snop  }
0x3c: {  	p2 =	seq.s32 s10, $0x1;
	s10 =	sld [smem:$0x3FB6]  }
0x3d: {  	_ =	shalt  }
0x3e: {  	_ =	shalt  }
0x3f: {  	_ =	shalt  }
0x40: {  	_ =	shalt  }
0x41: {  	_ =	shalt  }
0x42: {  	_ =	shalt  }
0x43: {  	_ =	shalt  }
0x44: {  	_ =	shalt  }
0x45: {  	_ =	shalt  }
0x46: {  	_ =	shalt  }
0x47: {  	_ =	shalt  }
0x48: {  	_ =	shalt  }
0x49: {  	_ =	shalt  }
0x4a: {  	_ =	shalt  }
0x4b: {  	_ =	shalt  }
0x4c: {  	_ =	shalt  }
0x4d: {  	_ =	shalt  }
0x4e: {  	_ =	shalt  }
0x4f: {  	_ =	shalt  }
0x50: {  	_ =	shalt  }
0x51: {  	_ =	shalt  }
0x52: {  	_ =	shalt  }
0x53: {  	_ =	shalt  }
0x54: {  	_ =	shalt  }
0x55: {  	_ =	shalt  }
0x56: {  	_ =	shalt  }
0x57: {  	_ =	shalt  }
0x58: {  	_ =	shalt  }
0x59: {  	_ =	shalt  }
0x5a: {  	_ =	shalt  }
0x5b: {  	_ =	shalt  }
0x5c: {  	_ =	shalt  }
0x5d: {  	_ =	shalt  }
0x5e: {  	_ =	shalt  }
0x5f: {  	_ =	shalt  }
0x60: {  	_ =	shalt  }
0x61: {  	_ =	shalt  }
0x62: {  	_ =	shalt  }
0x63: {  	_ =	shalt  }
0x64: {  	_ =	shalt  }
0x65: {  	_ =	shalt  }
0x66: {  	_ =	shalt  }
0x67: {  	_ =	shalt  }
0x68: {  	_ =	shalt  }
0x69: {  	_ =	shalt  }
0x6a: {  	_ =	shalt  }
0x6b: {  	_ =	shalt  }
0x6c: {  	_ =	shalt  }
0x6d: {  	_ =	shalt  }
0x6e: {  	_ =	shalt  }
0x6f: {  	_ =	shalt  }
0x70: {  	_ =	shalt  }
0x71: {  	_ =	shalt  }
0x72: {  	_ =	shalt  }
0x73: {  	_ =	shalt  }
0x74: {  	_ =	shalt  }
0x75: {  	_ =	shalt  }
0x76: {  	_ =	shalt  }
0x77: {  	_ =	shalt  }
0x78: {  	_ =	shalt  }
0x79: {  	_ =	shalt  }
0x7a: {  	_ =	shalt  }
0x7b: {  	_ =	shalt  }
0x7c: {  	_ =	shalt  }
0x7d: {  	_ =	shalt  }
0x7e: {  	_ =	shalt  }
0x7f: {  	_ =	shalt  }
0x80: {  	_ =	shalt  }
0x81: {  	_ =	shalt  }
0x82: {  	_ =	shalt  }
0x83: {  	_ =	shalt  }
0x84: {  	_ =	shalt  }
0x85: {  	_ =	shalt  }
0x86: {  	_ =	shalt  }
0x87: {  	_ =	shalt  }
.Lfunc_end0:
.L_simem_size_0:
called_computation.1_lowered:
.L_overlay_start_0:
0x88: {  	s2 =	sld [smem:$0x3FD9]  }
0x89: {  	s3 =	sld [smem:$0x3FFE];
	_ =	sdelay $0x1  }
0x8a: {  	s1 =	srdreg.scid  }
0x8b: {  	s0 =	sand.u32 $0x1, s1  }
0x8c: {  	s17 =	sshll.u32 s0, $0xA;
	s2 =	sadd.s32 s3, s2  }
0x8d: {  	s2 =	sadd.s32 s2, s17  }
0x8e: {  	[smem:$0x3FC2] =	sst s2  }
0x8f: {  	_ = 	snop  }
0x90: {  	s2 =	sld [smem:$0x3FD0];
	(tm) =	ssettm $0x1  }
0x91: {  	s18 =	sld [smem:$0x3FFB];
	_ =	sdelay $0x3  }
0x92: {  	_ =	strace s18  }
0x93: {  	s3 =	sld [smem:$0x3FFC];
	_ =	sdelay $0x3  }
0x94: {  	_ =	strace s3  }
0x95: {  	s3 =	sld [smem:$0x3FFD];
	_ =	sdelay $0x3  }
0x96: {  	_ =	strace s3  }
0x97: {  	_ =	strace $0x8FFFFFFF  }
0x98: {  	s19 =	sld [smem:$0x3FDB];
	_ =	sdelay $0x1  }
0x99: {  	s4 =	simm.s32 $_scs_section_size  }
0x9a: {  	s5 =	simm.s32 $_size__tile_overlayer_lowered;
	s6 =	simm.s32 $_tile_overlayer_lowered  }
0x9b: {  	s22 =	simm.s32 $0x1BFF;
	s21 =	sshll.u32 s6, $0x1;
	s3 =	sadd.s32 s4, s19  }
0x9c: {  	s7 =	simm.s32 $0x0;
	s20 =	sshll.u32 s5, $0x1;
	s5 =	sadd.s32 s21, s3  }
0x9d: {  	[timem:s7], [sflag:s22] =	dma.local [hbm:s5], s20  }
0x9e: {  	_ =	swait.ge [sflag:s22], s20  }
0x9f: {  	s4 =	ssub.s32 $0x0, s20;
	[sflag:s22] =	ssyncset.done $0x0  }
0xa0: {  	[sflag:s22] =	ssyncadd.s32 s4;
	_ =	sdelay $0x1  }
0xa1: {  	s23 =	simm.s32 $0x1B8B  }
0xa2: {  	_ =	swait.ge [sflag:s23], $0x1  }
0xa3: {  	[sflag:s23] =	ssyncset.done $0x0  }
0xa4: {  	s25 =	simm.s32 $0x1B8E;
	s24 =	sld [smem:$0x3FFE];
	[sflag:s23] =	ssyncadd.s32 $0xFFFFFFFF  }
0xa5: {  	s26 =	simm.s32 $execute0_lowered;
	[smem:$0x3FD2] =	sst s25  }
0xa6: {  	s5 =	sshll.u32 s26, $0x1;
	_ =	strace $0x80000049;
	[dreg:$0x1] =	wrdreg $0xFFFFFFFF  }
0xa7: {  	s28 =	simm.s32 $_size_execute0_lowered;
	s3 =	sadd.s32 s3, s5;
	[dreg:$0x0] =	wrdreg $0x0  }
0xa8: {  	s5 =	sshll.u32 s28, $0x1;
	[dreg:$0x2] =	wrdreg s3  }
0xa9: {  	[dreg:$0x3] =	wrdreg s5  }
0xaa: {  	[dreg:$0x4] =	wrdreg $0xC0  }
0xab: {  	_ =	task [dreg:s7], $0x5FFFF  }
0xac: {  	[dreg:$0x1] =	wrdreg $0xFFFFFFFF  }
0xad: {  	[dreg:$0x0] =	wrdreg $0x60  }
0xae: {  	[dreg:$0x2] =	wrdreg s2  }
0xaf: {  	[dreg:$0x3] =	wrdreg s24  }
0xb0: {  	[dreg:$0x4] =	wrdreg $0xBD000  }
0xb1: {  	[dreg:$0x5] =	wrdreg $0x9  }
0xb2: {  	_ =	task.clear_ibuf [dreg:s7], $0x6FFFF;
	_ =	strace $0x90000049  }
0xb3: {  	s29 =	simm.s32 $0x9;
	_ =	strace $0x8000004B  }
0xb4: {  	_ =	swait.ge [sflag:s29], $0x1  }
0xb5: {  	[sflag:s29] =	ssyncadd.s32 $0xFFFFFFFF  }
0xb6: {  	_ =	strace $0x9000004B  }
0xb7: {  	_ =	sfence  }
0xb8: {  	s30 =	sld [smem:$0x0];
	_ =	sdelay $0x2  }
0xb9: {  	s31 =	sshll.u32 s1, $0xD;
	s1 =	sshrl.u32 s1, $0x2  }
0xba: {  	s3 =	sand.u32 $0x4000, s31;
	s1 =	sadd.s32 s1, s30  }
0xbb: {  	s0 =	sor.u32 s3, s0;
	s1 =	sshll.u32 s1, $0x11  }
0xbc: {  	s0 =	sor.u32 s1, s0  }
0xbd: {  	s0 =	sadd.s32 $0x8F2B, s0  }
0xbe: {  	[sflag:s0] =	ssyncadd.remote.s32 $0x1  }
0xbf: {  	_ =	sfence.sel $0xFFFF  }
0xc0: {  	[dreg:$0x0] =	wrdreg $0xFFFFFFFF;
	(pc) =	sbr.abs _section_cstart, $3  }
0xc1: {  	[dreg:$0x1] =	wrdreg $0xFFFFFFFF  }
0xc2: {  	_ =	task.clear_ibuf [dreg:s7], $0x2FFFF;
	_ =	strace $0x9FFFFFFF  }
0xc3: {  	(tm) =	ssettm $0x7FFFFFFF  }
tec
execute0_lowered:
.L_overlay_start_1:
0x0: {  	(tag) =	ssettag $0x1  }
0x1: {  	s1 =	rddreg [dreg:$0x0]  }
0x2: {  	s0 =	rddreg [dreg:$0x1]  }
0x3: {  	s2 =	rddreg [dreg:$0x2];
	s4 =	simm.s32 $0x0;
	s3 =	srdreg.scid  }
0x4: {  	s12 =	stileid.u32;
	s18 =	simm.s32 $0x3D00;
	s19 =	simm.s32 $0x4  }
0x5: {  	s21 =	simm.s32 $0x3;
	s22 =	simm.s32 $0x2880;
	s23 =	simm.s32 $0x2000  }
0x6: {  	s24 =	simm.s32 $0x80;
	[smem:$0x7FF] =	sst s4;
	s3 =	sand.u32 $0x1, s3  }
0x7: {  	s5 =	sadd.s32 $0xC800, s0;
	s8 =	smul.u32 $0x4F000, s12;
	s6 =	sadd.s32 $0x2800, s0  }
0x8: {  	s0 =	sadd.s32 $0x64A00, s0;
	s11 =	sor.u32 $0x2710, s12;
	s14 =	smul.u32 $0x278, s12  }
0x9: {  	p0 =	seq.s32 s12, $0xF;
	s7 =	ssub.s32 $0x2, s3;
	s10 =	smul.u32 $0x2710, s3  }
0xa: {  	_ =	strace $0x8000004A;
	s3 =	smul.u32 $0x138800, s3;
	s9 =	sshrl.u32 s7, $0x1  }
0xb: {  	s25 =	sshrl.u32 s8, $0x2;
	s8 =	smul.u32 $0x5000, s12;
	s9 =	ssub.s32 s7, s9  }
0xc: {  	s7 =	sadd.s32 s25, s2;
	s16 =	sadd.s32 s14, s10;
	s3 =	sshrl.u32 s3, $0x3  }
0xd: {  	s20 =	sadd.s32 $0x2710, s10;
	s13 =	sadd.s32 $0x4000, s7;
	s26 =	sadd.s32 $0x8000, s7  }
0xe: {  	s28 =	sadd.s32 $0xC000, s7;
	s15 =	sshrl.u32 s8, $0x3;
	[dreg:$0x4] =	wrdreg s13  }
.Ltmp0:
0xf: {  	s29 =	sadd.s32 $0x10000, s7;
	[dreg:$0x5] =	wrdreg s26;
	(pc) =	sbr.rel .LBB2_1-.Ltmp0, $4  }
0x10: {  	s31 =	sshll.u32 s16, $0x4;
	s17 =	smax.u32 s9, $0x1;
	[dreg:$0x6] =	wrdreg s28  }
0x11: {  	[dreg:$0x7] =	wrdreg s29;
	s30 =	sadd.s32 s5, s15;
	s14 =	sadd.s32 s6, s15  }
0x12: {  	v3 =	vimm.f32 $0.0e+00;
	v4 =	vimm.s32 $0x0;
	v5 =	vlaneseq.u32;
	s15 =	sadd.s32 s0, s31;
	s0 =	sadd.s32 s0, s3;
	s3 =	sadd.s32 $0x128400, s2  }
0x13: {  	v2 =	vmov s11;
	v0 =	vmov s10;
	v1 =	vmov s20;
	[dreg:$0x8] =	wrdreg s30;
	s16 =	sadd.s32 $0x25080, s0;
	s25 =	sshrl.u32 @p0 s3, $0x3  }
.LBB2_21:
0x14: {  	[bflag:$0x0] =	sbarrier.arrive $0xFFFF;
	s0 =	simm.s32 @p0 $0x1FC4  }
0x15: {  	[hbm:s16], [sflag:s0] =	dma.local @p0 [spmem:s25], $0x2080  }
0x16: {  	s0 =	simm.s32 @p0 $0x4  }
0x17: {  	s3 =	stileid.u32;
	s4 =	sadd.s32 $0x1, s4;
	_ =	swait.ge @p0 [sflag:s0], $0x2080  }
0x18: {  	s3 =	sshll.u32 @!p0 s3, $0x6;
	p1 =	sne.s32 s4, s17;
	[sflag:s0] =	ssyncset.done @p0 $0x0  }
0x19: {  	[sflag:s0] =	ssyncadd.s32 @p0 $0xFFFFDF80;
	s0 =	sor.u32 @!p0 $0x1C04, s3;
	s3 =	sshrl.u32 @!p0 s7, $0x3  }
0x1a: {  	[hbm:s15], [sflag:s0] =	dma.local @!p0 [spmem:s3], $0x2780  }
.Ltmp1:
0x1b: {  	_ = 	snop;
	(pc) =	sbr.rel @!p1 .LBB2_22-.Ltmp1, $4  }
0x1c: {  	s0 =	simm.s32 @!p0 $0x4  }
0x1d: {  	_ =	swait.ge @!p0 [sflag:s0], $0x2780  }
0x1e: {  	[sflag:s0] =	ssyncset.done @!p0 $0x0  }
0x1f: {  	[sflag:s0] =	ssyncadd.s32 @!p0 $0xFFFFD880  }
.LBB2_1:
0x20: {  	s0 =	simm.s32 $0x0;
	s3 =	simm.s32 $0x200  }
.LBB2_2:
0x21: {  	p1 =	sne.s32 s3, $0xFE00;
	[tilespmem:s0+$0x3D70] =	vst v3  }
0x22: {  	[tilespmem:s0+$0x3D00] =	vst v3  }
0x23: {  	[tilespmem:s0+$0x3D10] =	vst v3  }
.Ltmp2:
0x24: {  	[tilespmem:s0+$0x3D20] =	vst v3;
	(pc) =	sbr.rel @p1 .LBB2_2-.Ltmp2, $4  }
0x25: {  	[tilespmem:s0+$0x3D30] =	vst v3  }
0x26: {  	[tilespmem:s0+$0x3D40] =	vst v3  }
0x27: {  	[tilespmem:s0+$0x3D50] =	vst v3  }
0x28: {  	[tilespmem:s0+$0x3D60] =	vst v3;
	s0 =	sshra.s32 s3, $0x2;
	s3 =	sadd.s32 $0x200, s3  }
0x29: {  	[tilespmem:s0+$0x3D70] =	vst v3  }
0x2a: {  	[tilespmem:s0+$0x3D00] =	vst v3  }
0x2b: {  	[tilespmem:s0+$0x3D10] =	vst v3  }
0x2c: {  	[tilespmem:s0+$0x3D20] =	vst v3  }
0x2d: {  	[tilespmem:s0+$0x3D30] =	vst v3  }
0x2e: {  	[tilespmem:s0+$0x3D40] =	vst v3  }
0x2f: {  	[tilespmem:s0+$0x3D50] =	vst v3  }
0x30: {  	[tilespmem:s0+$0x3D60] =	vst v3  }
0x31: {  	[spmem:s7] =	stream.linear.scatter [tilespmem:s18], [sflag:$0x4], $0x4000, $0x38;
	[tilespmem:$0x1F900] =	vst v63  }
0x32: {  	_ =	swait.ge [sflag:s19], $0x4000  }
0x33: {  	[sflag:s19] =	ssyncset.done $0x0  }
0x34: {  	s20 =	rddreg [dreg:$0x4];
	[sflag:s19] =	ssyncadd.s32 $0xFFFFC000  }
0x35: {  	[spmem:s20] =	stream.linear.scatter [tilespmem:s18], [sflag:$0x4], $0x4000, $0x38;
	[tilespmem:$0x1F900] =	vst v63  }
0x36: {  	_ =	swait.ge [sflag:s19], $0x4000  }
0x37: {  	[sflag:s19] =	ssyncset.done $0x0  }
0x38: {  	s26 =	rddreg [dreg:$0x5];
	[sflag:s19] =	ssyncadd.s32 $0xFFFFC000  }
0x39: {  	[spmem:s26] =	stream.linear.scatter [tilespmem:s18], [sflag:$0x4], $0x4000, $0x38;
	[tilespmem:$0x1F900] =	vst v63  }
0x3a: {  	_ =	swait.ge [sflag:s19], $0x4000  }
0x3b: {  	[sflag:s19] =	ssyncset.done $0x0  }
0x3c: {  	s28 =	rddreg [dreg:$0x6];
	[sflag:s19] =	ssyncadd.s32 $0xFFFFC000  }
0x3d: {  	[spmem:s28] =	stream.linear.scatter [tilespmem:s18], [sflag:$0x4], $0x4000, $0x38;
	[tilespmem:$0x1F900] =	vst v63  }
0x3e: {  	_ =	swait.ge [sflag:s19], $0x4000  }
0x3f: {  	[sflag:s19] =	ssyncset.done $0x0  }
0x40: {  	s29 =	rddreg [dreg:$0x7];
	[sflag:s19] =	ssyncadd.s32 $0xFFFFC000  }
0x41: {  	[spmem:s29] =	stream.linear.scatter [tilespmem:s18], [sflag:$0x4], $0x3C00, $0x38;
	[tilespmem:$0x1F900] =	vst v63  }
0x42: {  	_ =	swait.ge [sflag:s19], $0x3C00  }
0x43: {  	[sflag:s19] =	ssyncset.done $0x0  }
0x44: {  	s26 =	simm.s32 $0x0;
	s30 =	rddreg [dreg:$0x8];
	[sflag:s19] =	ssyncadd.s32 $0xFFFFC400  }
0x45: {  	[tilespmem:s26], [sflag:$0x3] =	stream.linear.gather [hbm4b:s30+s26], $0x800, $0x38;
	[tilespmem:$0x1F900] =	vst v63  }
0x46: {  	s31 =	simm.s32 $0x1000  }
0x47: {  	[tilespmem:s31], [sflag:$0x3] =	stream.linear.gather [hbm4b:s14+s26], $0x800, $0x38;
	[tilespmem:$0x1F900] =	vst v63  }
0x48: {  	_ =	swait.ge [sflag:s21], $0x800  }
0x49: {  	[sflag:s21] =	ssyncset.done $0x0  }
0x4a: {  	[sflag:s21] =	ssyncadd.s32 $0xFFFFF800  }
0x4b: {  	_ =	swait.ge [sflag:s21], $0x800  }
0x4c: {  	[sflag:s21] =	ssyncset.done $0x0  }
0x4d: {  	[sflag:s21] =	ssyncadd.s32 $0xFFFFF800  }
0x4e: {  	[bflag:$0x0] =	sbarrier.arrive $0xFFFF  }
.LBB2_4:
0x4f: {  	s0 =	smov.u32 s26  }
0x50: {  	s26 =	sadd.s32 $0x1, s26;
	p1 =	seq.s32 s0, $0x9  }
0x51: {  	s3 =	sshll.u32 @!p1 s26, $0xB  }
0x52: {  	s20 =	simm.s32 $0x0;
	s0 =	sshll.u32 @!p1 s0, $0xB;
	s3 =	sadd.s32 @!p1 s8, s3  }
0x53: {  	s10 =	simm.s32 @!p1 $0x0;
	s28 =	sand.u32 @!p1 $0x800, s0;
	s0 =	sshrl.u32 @!p1 s3, $0x3  }
0x54: {  	s3 =	sxor.u32 @!p1 $0x800, s28;
	s28 =	simm.s32 @p1 $0x800;
	s9 =	sadd.s32 @!p1 s5, s0  }
0x55: {  	[tilespmem:s3], [sflag:$0x3] =	stream.linear.gather @!p1 [hbm4b:s9+s10], $0x800, $0x38;
	[tilespmem:$0x1F900] =	vst v63  }
0x56: {  	s0 =	sadd.s32 @!p1 s6, s0;
	s29 =	sor.u32 $0x20, s28;
	s3 =	sor.u32 @!p1 $0x1000, s3  }
0x57: {  	[tilespmem:s3], [sflag:$0x3] =	stream.linear.gather @!p1 [hbm4b:s0+s10], $0x800, $0x38;
	[tilespmem:$0x1F900] =	vst v63  }
0x58: {  	v6 =	vimm.s32 $0x0;
	s30 =	sor.u32 $0x30, s28;
	s31 =	sor.u32 $0x1000, s28;
	s0 =	sor.u32 $0x10, s28  }
.LBB2_5:
0x59: {  	v7 =	vld [tilespmem:s31+$0x0];
	_ =	sdelay $0x4  }
0x5a: {  	vm0 =	vge.s32 v7, v0;
	vm1 =	vlt.s32 v7, v1  }
0x5b: {  	vm0 =	vmand vm0, vm1  }
0x5c: {  	v8 =	vsel vm0, $0x1, v4  }
0x5d: {  	(xrf0) =	vadd.scan.msk.s32 $0xffff, v8;
	_ =	sdelay $0x5  }
0x5e: {  	v8, _, _ =	vpop (xrf0)  }
0x5f: {  	v8 =	vadd.s32 v8, v6  }
0x60: {  	v8 =	vadd.s32 $0xFFFFFFFF, v8  }
0x61: {  	v9 =	vld [tilespmem:s28+$0x0];
	_ =	sdelay $0x2  }
0x62: {  	s3 =	sand.u32 $0x40, s20;
	v7 =	vsub.s32 v7, v0  }
0x63: {  	s9 =	sand.u32 $0x780, s20;
	s10 =	sor.u32 s0, s3;
	[tilespmem:v8+s22+$0x0] =	vst.idx.msk vm0, v7  }
0x64: {  	s10 =	sor.u32 s9, s10;
	[tilespmem:v8+s23+$0x0] =	vst.idx.msk vm0, v9  }
0x65: {  	v7 =	vld [tilespmem:s10+$0x1000];
	_ =	sdelay $0x4  }
0x66: {  	vm11 =	vge.s32 v7, v0;
	vm2 =	vlt.s32 v7, v1  }
0x67: {  	vm1 =	vmand vm11, vm2  }
0x68: {  	v8 =	vsel vm1, $0x1, v4  }
0x69: {  	(xrf0) =	vadd.scan.msk.s32 $0xffff, v8;
	_ =	sdelay $0x1  }
0x6a: {  	v8 =	vmpcnt.ones.xlane vm0;
	_ =	sdelay $0x3  }
0x6b: {  	v6 =	vadd.s32 v6, v8;
	v8, _, _ =	vpop (xrf0)  }
0x6c: {  	v8 =	vadd.s32 v8, v6  }
0x6d: {  	v8 =	vadd.s32 $0xFFFFFFFF, v8  }
0x6e: {  	v9 =	vld [tilespmem:s10+$0x0];
	_ =	sdelay $0x2  }
0x6f: {  	v7 =	vsub.s32 v7, v0  }
0x70: {  	s13 =	sor.u32 s29, s3;
	[tilespmem:v8+s22+$0x0] =	vst.idx.msk vm1, v7  }
0x71: {  	s10 =	sor.u32 s9, s13;
	[tilespmem:v8+s23+$0x0] =	vst.idx.msk vm1, v9  }
0x72: {  	v7 =	vld [tilespmem:s10+$0x1000];
	_ =	sdelay $0x4  }
0x73: {  	vm12 =	vge.s32 v7, v0;
	vm13 =	vlt.s32 v7, v1  }
0x74: {  	vm0 =	vmand vm12, vm13  }
0x75: {  	v8 =	vsel vm0, $0x1, v4  }
0x76: {  	(xrf0) =	vadd.scan.msk.s32 $0xffff, v8;
	_ =	sdelay $0x1  }
0x77: {  	v8 =	vmpcnt.ones.xlane vm1;
	_ =	sdelay $0x3  }
0x78: {  	v6 =	vadd.s32 v6, v8;
	v8, _, _ =	vpop (xrf0)  }
0x79: {  	v8 =	vadd.s32 v8, v6  }
0x7a: {  	v8 =	vadd.s32 $0xFFFFFFFF, v8  }
0x7b: {  	v9 =	vld [tilespmem:s10+$0x0];
	_ =	sdelay $0x2  }
0x7c: {  	v7 =	vsub.s32 v7, v0  }
0x7d: {  	s3 =	sor.u32 s30, s3;
	[tilespmem:v8+s22+$0x0] =	vst.idx.msk vm0, v7  }
0x7e: {  	s3 =	sor.u32 s9, s3;
	[tilespmem:v8+s23+$0x0] =	vst.idx.msk vm0, v9  }
0x7f: {  	v7 =	vld [tilespmem:s3+$0x1000];
	_ =	sdelay $0x4  }
0x80: {  	vm14 =	vge.s32 v7, v0;
	vm15 =	vlt.s32 v7, v1  }
0x81: {  	vm1 =	vmand vm14, vm15  }
0x82: {  	v8 =	vsel vm1, $0x1, v4  }
0x83: {  	(xrf0) =	vadd.scan.msk.s32 $0xffff, v8;
	_ =	sdelay $0x1  }
0x84: {  	v8 =	vmpcnt.ones.xlane vm0;
	_ =	sdelay $0x3  }
0x85: {  	v6 =	vadd.s32 v6, v8;
	v8, _, _ =	vpop (xrf0)  }
0x86: {  	v8 =	vadd.s32 v8, v6  }
0x87: {  	v8 =	vadd.s32 $0xFFFFFFFF, v8  }
0x88: {  	p2 =	sne.s32 s20, $0x7C0;
	v9 =	vld [tilespmem:s3+$0x0]  }
.Ltmp3:
0x89: {  	_ = 	snop;
	(pc) =	sbr.rel @p2 .LBB2_5-.Ltmp3, $4  }
0x8a: {  	_ = 	snop  }
0x8b: {  	v7 =	vsub.s32 v7, v0;
	v10 =	vmpcnt.ones.xlane vm1  }
0x8c: {  	[tilespmem:v8+s22+$0x0] =	vst.idx.msk vm1, v7  }
0x8d: {  	s28 =	sadd.s32 $0x40, s28;
	s31 =	sadd.s32 $0x40, s31;
	s20 =	sadd.s32 $0x40, s20;
	v6 =	vadd.s32 v6, v10;
	[tilespmem:v8+s23+$0x0] =	vst.idx.msk vm1, v9  }
0x8e: {  	(xrf0) =	vadd.scan.msk.s32 $0xffff, v6;
	_ =	sdelay $0x5  }
0x8f: {  	v6, _, _ =	vpop (xrf0)  }
0x90: {  	(v2sf) =	vpush v6, $0xF;
	_ =	sdelay $0xe  }
0x91: {  	s0 =	spop (v2sf)  }
0x92: {  	s0 =	sshra.s32 s0, $0x4  }
0x93: {  	v6 =	vadd.s32 s0, v5  }
0x94: {  	s3 =	sadd.s32 $0x10, s0  }
0x95: {  	v7 =	vadd.s32 s3, v5  }
0x96: {  	s11 =	sadd.s32 $0x20, s0  }
0x97: {  	v8 =	vadd.s32 s11, v5  }
0x98: {  	s12 =	sadd.s32 $0x30, s0;
	[tilespmem:v6+s22+$0x0] =	vst.idx.msk $0xffff, v2  }
0x99: {  	[tilespmem:v6+s23+$0x0] =	vst.idx.msk $0xffff, v4;
	v6 =	vadd.s32 s12, v5  }
0x9a: {  	s13 =	sadd.s32 $0x40, s0;
	[tilespmem:v7+s22+$0x0] =	vst.idx.msk $0xffff, v2  }
0x9b: {  	s30 =	sadd.s32 $0x7F, s0;
	[tilespmem:v7+s23+$0x0] =	vst.idx.msk $0xffff, v4;
	v7 =	vadd.s32 s13, v5  }
0x9c: {  	s20 =	sadd.s32 $0x50, s0;
	s29 =	sadd.s32 $0x60, s0;
	s10 =	sand.u32 $0x7F, s30;
	[tilespmem:v8+s22+$0x0] =	vst.idx.msk $0xffff, v2  }
0x9d: {  	p2 =	slt.s32 s0, $0xFFFFFF82;
	v63 =	vadd.s32 s20, v5;
	s31 =	sshra.s32 s30, $0x1F;
	p3 =	sne.s32 s10, $0x0;
	[tilespmem:v8+s23+$0x0] =	vst.idx.msk $0xffff, v4  }
0x9e: {  	s9 =	sadd.s32 $0x70, s0;
	s0 =	sshrl.u32 s31, $0x19;
	p2 =	por !p2, !p3;
	[tilespmem:v6+s22+$0x0] =	vst.idx.msk $0xffff, v2  }
0x9f: {  	s3 =	simm.s32 $0x1;
	s0 =	sadd.s32 s0, s30;
	p2 =	por !p2, !p2;
	[tilespmem:v6+s23+$0x0] =	vst.idx.msk $0xffff, v4;
	v6 =	vadd.s32 s29, v5  }
0xa0: {  	s0 =	sshra.s32 s0, $0x7;
	s3 =	simm.s32 @!p2 $0x0;
	[tilespmem:v7+s22+$0x0] =	vst.idx.msk $0xffff, v2  }
0xa1: {  	v9 =	vadd.s32 s9, v5;
	s28 =	ssub.s32 s0, s3;
	[tilespmem:v7+s23+$0x0] =	vst.idx.msk $0xffff, v4  }
0xa2: {  	p2 =	slt.s32 s28, $0x1;
	[tilespmem:v63+s22+$0x0] =	vst.idx.msk $0xffff, v2  }
.Ltmp4:
0xa3: {  	[tilespmem:v63+s23+$0x0] =	vst.idx.msk $0xffff, v4;
	(pc) =	sbr.rel @p2 .LBB2_19-.Ltmp4, $4  }
0xa4: {  	[tilespmem:v6+s22+$0x0] =	vst.idx.msk $0xffff, v2  }
0xa5: {  	[tilespmem:v6+s23+$0x0] =	vst.idx.msk $0xffff, v4  }
0xa6: {  	[tilespmem:v9+s22+$0x0] =	vst.idx.msk $0xffff, v2  }
0xa7: {  	[tilespmem:v9+s23+$0x0] =	vst.idx.msk $0xffff, v4  }
0xa8: {  	[tilespmem:s18], [sflag:$0x1] =	stream.indirect.gather [hbm4b:s1+s24], $0x80, s23, s24, $0xb8;
	[tilespmem:$0x1F900] =	vst v63  }
0xa9: {  	p3 =	sne.s32 s28, $0x1  }
.Ltmp5:
0xaa: {  	_ = 	snop;
	(pc) =	sbr.rel @!p3 .LBB2_8-.Ltmp5, $4  }
0xab: {  	p2 =	seq.s32 s28, $0x1;
	s29 =	simm.s32 $0x28C0  }
0xac: {  	s0 =	simm.s32 @!p2 $0x80;
	s3 =	simm.s32 @!p2 $0x2080;
	s9 =	simm.s32 @!p2 $0x7D00  }
0xad: {  	[tilespmem:s9], [sflag:$0x2] =	stream.indirect.gather @!p2 [hbm4b:s1+s0], $0x80, s3, s0, $0xb8;
	[tilespmem:$0x1F900] =	vst v63  }
0xae: {  	s31 =	simm.s32 $0x3140;
	s0 =	sadd.s32 $0xFFFFFFFF, s28;
	p2 =	por $0x0, $0x0;
	v6 =	vld [tilespmem:s29+$0xFFFFFFC0]  }
0xaf: {  	_ =	sdelay $0x3  }
0xb0: {  	[tilespmem:s31+$0xFFFFFFC0] =	vst v6  }
0xb1: {  	v6 =	vld [tilespmem:s29+$0xFFFFFFD0];
	_ =	sdelay $0x4  }
0xb2: {  	[tilespmem:s31+$0xFFFFFFD0] =	vst v6  }
0xb3: {  	v6 =	vld [tilespmem:s29+$0xFFFFFFE0];
	_ =	sdelay $0x4  }
0xb4: {  	[tilespmem:s31+$0xFFFFFFE0] =	vst v6  }
0xb5: {  	v6 =	vld [tilespmem:s29+$0xFFFFFFF0];
	_ =	sdelay $0x4  }
0xb6: {  	[tilespmem:s31+$0xFFFFFFF0] =	vst v6  }
0xb7: {  	v6 =	vld [tilespmem:s29+$0x0];
	_ =	sdelay $0x4  }
0xb8: {  	[tilespmem:s31+$0x0] =	vst v6  }
0xb9: {  	v6 =	vld [tilespmem:s29+$0x10];
	_ =	sdelay $0x4  }
0xba: {  	[tilespmem:s31+$0x10] =	vst v6  }
0xbb: {  	v6 =	vld [tilespmem:s29+$0x20];
	_ =	sdelay $0x4  }
0xbc: {  	[tilespmem:s31+$0x20] =	vst v6  }
0xbd: {  	v6 =	vld [tilespmem:s29+$0x30]  }
0xbe: {  	p4 =	sne.s32 s0, $0x1  }
.Ltmp6:
0xbf: {  	_ = 	snop;
	(pc) =	sbr.rel @!p4 .LBB2_10-.Ltmp6, $3  }
0xc0: {  	_ =	sdelay $0x1  }
0xc1: {  	s29 =	simm.s32 $0x2940;
	[tilespmem:s31+$0x30] =	vst v6  }
0xc2: {  	s20 =	sadd.s32 $0xFFFFFFFF, s0;
	p3 =	por $0x1, $0x1;
	s0 =	simm.s32 $0x3140;
	v6 =	vld [tilespmem:s29+$0xFFFFFFC0]  }
.LBB2_11:
0xc3: {  	p4 =	sne.s32 s20, $0x1;
	_ =	sdelay $0x2  }
0xc4: {  	s0 =	sadd.s32 $0x80, s0  }
0xc5: {  	[tilespmem:s0+$0xFFFFFFC0] =	vst v6  }
0xc6: {  	v6 =	vld [tilespmem:s29+$0xFFFFFFD0];
	_ =	sdelay $0x4  }
0xc7: {  	[tilespmem:s0+$0xFFFFFFD0] =	vst v6  }
0xc8: {  	v6 =	vld [tilespmem:s29+$0xFFFFFFE0];
	_ =	sdelay $0x4  }
0xc9: {  	[tilespmem:s0+$0xFFFFFFE0] =	vst v6  }
0xca: {  	v6 =	vld [tilespmem:s29+$0xFFFFFFF0];
	_ =	sdelay $0x4  }
0xcb: {  	[tilespmem:s0+$0xFFFFFFF0] =	vst v6  }
0xcc: {  	v6 =	vld [tilespmem:s29+$0x0];
	_ =	sdelay $0x4  }
0xcd: {  	[tilespmem:s0+$0x0] =	vst v6  }
0xce: {  	v6 =	vld [tilespmem:s29+$0x10];
	_ =	sdelay $0x4  }
0xcf: {  	[tilespmem:s0+$0x10] =	vst v6  }
0xd0: {  	v6 =	vld [tilespmem:s29+$0x20];
	_ =	sdelay $0x4  }
0xd1: {  	[tilespmem:s0+$0x20] =	vst v6  }
0xd2: {  	v6 =	vld [tilespmem:s29+$0x30];
	_ =	sdelay $0x1  }
.Ltmp7:
0xd3: {  	(pc) =	sbr.rel @p4 .LBB2_11-.Ltmp7, $3  }
0xd4: {  	_ =	sdelay $0x1  }
0xd5: {  	s29 =	sadd.s32 $0x80, s29;
	[tilespmem:s0+$0x30] =	vst v6  }
0xd6: {  	s20 =	sadd.s32 $0xFFFFFFFF, s20;
	v6 =	vld [tilespmem:s29+$0xFFFFFFC0]  }
.LBB2_12:
0xd7: {  	_ =	sdelay $0x1  }
0xd8: {  	s0 =	sadd.s32 @p3 $0x80, s0  }
0xd9: {  	s31 =	smov.u32 @p3 s0  }
0xda: {  	[tilespmem:s31+$0xFFFFFFC0] =	vst v6  }
0xdb: {  	v6 =	vld [tilespmem:s29+$0xFFFFFFD0];
	_ =	sdelay $0x4  }
0xdc: {  	[tilespmem:s31+$0xFFFFFFD0] =	vst v6  }
0xdd: {  	v6 =	vld [tilespmem:s29+$0xFFFFFFE0];
	_ =	sdelay $0x4  }
0xde: {  	[tilespmem:s31+$0xFFFFFFE0] =	vst v6  }
0xdf: {  	v6 =	vld [tilespmem:s29+$0xFFFFFFF0];
	_ =	sdelay $0x4  }
0xe0: {  	[tilespmem:s31+$0xFFFFFFF0] =	vst v6  }
0xe1: {  	v6 =	vld [tilespmem:s29+$0x0];
	_ =	sdelay $0x4  }
0xe2: {  	[tilespmem:s31+$0x0] =	vst v6  }
0xe3: {  	v6 =	vld [tilespmem:s29+$0x10];
	_ =	sdelay $0x4  }
0xe4: {  	[tilespmem:s31+$0x10] =	vst v6  }
0xe5: {  	v6 =	vld [tilespmem:s29+$0x20];
	_ =	sdelay $0x4  }
0xe6: {  	[tilespmem:s31+$0x20] =	vst v6  }
0xe7: {  	p3 =	sne.s32 s28, $0x1;
	v6 =	vld [tilespmem:s29+$0x30]  }
.Ltmp8:
0xe8: {  	_ = 	snop;
	(pc) =	sbr.rel @!p3 .LBB2_13-.Ltmp8, $3  }
0xe9: {  	_ =	sdelay $0x1  }
0xea: {  	s20 =	simm.s32 $0x0;
	s9 =	simm.s32 $0x2100;
	s30 =	simm.s32 $0x1  }
0xeb: {  	s11 =	sand.u32 $0x1, s20;
	s29 =	simm.s32 $0x3100;
	[tilespmem:s31+$0x30] =	vst v6;
	s31 =	simm.s32 $0x2  }
0xec: {  	p2 =	seq.s32 s11, $0x1  }
0xed: {  	s0 =	simm.s32 @p2 $0x2  }
0xee: {  	s31 =	simm.s32 $0x3;
	_ =	swait.ge @p2 [sflag:s0], $0x4000  }
0xef: {  	p3 =	sle.s32 @p2 s28, $0x2;
	s3 =	simm.s32 @p2 $0x4;
	[sflag:s0] =	ssyncset.done @p2 $0x0  }
0xf0: {  	s10 =	simm.s32 @p2 $0x7D00;
	[sflag:s0] =	ssyncadd.s32 @p2 $0xFFFFC000;
	s0 =	simm.s32 @p2 $0x80  }
0xf1: {  	[spmem:s2] =	stream.indirect.scatter.add.f32 @p2 [tilespmem:s10], [sflag:$0x4], $0x80, s29, s0, $0xb8;
	[tilespmem:$0x1F900] =	vst v63  }
0xf2: {  	p4 =	sle.s32 @!p2 s28, $0x2;
	s11 =	simm.s32 @!p2 $0x1;
	_ =	swait.ge @p2 [sflag:s3], $0x4000  }
0xf3: {  	p5 =	por p2, p2;
	p3 =	por p3, !p2;
	[sflag:s3] =	ssyncset.done @p2 $0x0  }
0xf4: {  	s0 =	simm.s32 @!p3 $0x80;
	[sflag:s3] =	ssyncadd.s32 @p2 $0xFFFFC000;
	s3 =	simm.s32 @!p3 $0x7D00  }
0xf5: {  	[tilespmem:s3], [sflag:$0x2] =	stream.indirect.gather @!p3 [hbm4b:s1+s0], $0x80, s9, s0, $0xb8;
	[tilespmem:$0x1F900] =	vst v63  }
0xf6: {  	s10 =	simm.s32 @!p2 $0x4;
	p3 =	por p4, p2;
	_ =	swait.ge @!p2 [sflag:s11], $0x4000  }
0xf7: {  	s3 =	simm.s32 @!p2 $0x80;
	p4 =	sne.s32 s28, $0x2;
	[sflag:s11] =	ssyncset.done @!p2 $0x0  }
.Ltmp9:
0xf8: {  	[sflag:s11] =	ssyncadd.s32 @!p2 $0xFFFFC000;
	s11 =	simm.s32 @!p2 $0x3D00;
	(pc) =	sbr.rel @!p4 .LBB2_15-.Ltmp9, $4  }
0xf9: {  	[spmem:s2] =	stream.indirect.scatter.add.f32 @!p2 [tilespmem:s11], [sflag:$0x4], $0x80, s29, s3, $0xb8;
	[tilespmem:$0x1F900] =	vst v63  }
0xfa: {  	s0 =	simm.s32 $0x2;
	s20 =	simm.s32 @!p3 $0x80;
	s3 =	simm.s32 @!p3 $0x3D00  }
0xfb: {  	s29 =	simm.s32 $0x3180;
	s11 =	sand.u32 $0x1, s30;
	_ =	swait.ge @!p2 [sflag:s10], $0x4000  }
0xfc: {  	s30 =	simm.s32 $0x2180;
	p2 =	por $0x1, $0x1;
	[sflag:s10] =	ssyncset.done @!p5 $0x0  }
.LBB2_16:
0xfd: {  	s12 =	sadd.s32 $0x2, s0  }
0xfe: {  	p4 =	seq.s32 s11, $0x1;
	s11 =	smov.u32 s0;
	s0 =	sadd.s32 $0x1, s0  }
0xff: {  	p6 =	sge.s32 @p4 s31, s28;
	s13 =	simm.s32 @p4 $0x2;
	[sflag:s10] =	ssyncadd.s32 @!p5 $0xFFFFC000  }
0x100: {  	[tilespmem:s3], [sflag:$0x1] =	stream.indirect.gather @!p3 [hbm4b:s1+s20], $0x80, s9, s20, $0xb8;
	[tilespmem:$0x1F900] =	vst v63  }
0x101: {  	p5 =	por p6, !p4;
	p3 =	sge.s32 @!p4 s31, s28;
	_ =	swait.ge @p4 [sflag:s13], $0x4000  }
0x102: {  	s9 =	simm.s32 @p4 $0x4;
	p3 =	por p3, p4;
	[sflag:s13] =	ssyncset.done @p4 $0x0  }
0x103: {  	s10 =	simm.s32 @p4 $0x7D00;
	s3 =	simm.s32 @p4 $0x80;
	[sflag:s13] =	ssyncadd.s32 @p4 $0xFFFFC000  }
0x104: {  	[spmem:s2] =	stream.indirect.scatter.add.f32 @p4 [tilespmem:s10], [sflag:$0x4], $0x80, s29, s3, $0xb8;
	[tilespmem:$0x1F900] =	vst v63  }
0x105: {  	s20 =	simm.s32 @!p3 $0x80;
	s3 =	simm.s32 @!p3 $0x3D00;
	_ =	swait.ge @p4 [sflag:s9], $0x4000  }
0x106: {  	p6 =	sne.s32 s28, s0;
	s13 =	simm.s32 @!p4 $0x1;
	[sflag:s9] =	ssyncset.done @p4 $0x0  }
0x107: {  	s10 =	simm.s32 @!p5 $0x7D00;
	[sflag:s9] =	ssyncadd.s32 @p4 $0xFFFFC000;
	s9 =	simm.s32 @!p5 $0x80  }
0x108: {  	[tilespmem:s10], [sflag:$0x2] =	stream.indirect.gather @!p5 [hbm4b:s1+s9], $0x80, s30, s9, $0xb8;
	[tilespmem:$0x1F900] =	vst v63  }
0x109: {  	s31 =	smov.u32 s12;
	s9 =	smov.u32 s30;
	_ =	swait.ge @!p4 [sflag:s13], $0x4000  }
.Ltmp10:
0x10a: {  	s10 =	simm.s32 @!p4 $0x4;
	[sflag:s13] =	ssyncset.done @!p4 $0x0;
	(pc) =	sbr.rel @p6 .LBB2_16-.Ltmp10, $4  }
0x10b: {  	s12 =	simm.s32 @!p4 $0x80;
	[sflag:s13] =	ssyncadd.s32 @!p4 $0xFFFFC000;
	s13 =	simm.s32 @!p4 $0x3D00  }
0x10c: {  	[spmem:s2] =	stream.indirect.scatter.add.f32 @!p4 [tilespmem:s13], [sflag:$0x4], $0x80, s29, s12, $0xb8;
	[tilespmem:$0x1F900] =	vst v63  }
0x10d: {  	p5 =	por p4, p4;
	s29 =	sadd.s32 $0x80, s29;
	_ =	swait.ge @!p4 [sflag:s10], $0x4000  }
0x10e: {  	s11 =	sand.u32 $0x1, s11;
	s30 =	sadd.s32 $0x80, s30;
	[sflag:s10] =	ssyncset.done @!p5 $0x0  }
0x10f: {  	s0 =	smov.u32 s9;
	s9 =	smov.u32 s30  }
.LBB2_18:
0x110: {  	p4 =	seq.s32 s11, $0x1;
	p5 =	por p5, !p2  }
0x111: {  	p2 =	por p3, !p2;
	s11 =	simm.s32 @p4 $0x2;
	[sflag:s10] =	ssyncadd.s32 @!p5 $0xFFFFC000  }
0x112: {  	[tilespmem:s3], [sflag:$0x1] =	stream.indirect.gather @!p2 [hbm4b:s1+s20], $0x80, s0, s20, $0xb8;
	[tilespmem:$0x1F900] =	vst v63  }
0x113: {  	_ =	swait.ge @p4 [sflag:s11], $0x4000  }
0x114: {  	s10 =	simm.s32 @p4 $0x7D00;
	[sflag:s11] =	ssyncset.done @p4 $0x0  }
0x115: {  	s0 =	simm.s32 @p4 $0x4;
	s3 =	simm.s32 @p4 $0x80;
	[sflag:s11] =	ssyncadd.s32 @p4 $0xFFFFC000  }
0x116: {  	[spmem:s2] =	stream.indirect.scatter.add.f32 @p4 [tilespmem:s10], [sflag:$0x4], $0x80, s29, s3, $0xb8;
	[tilespmem:$0x1F900] =	vst v63  }
0x117: {  	p2 =	sge.s32 @p4 s31, s28;
	_ =	swait.ge @p4 [sflag:s0], $0x4000  }
0x118: {  	p2 =	por p2, !p4;
	s3 =	simm.s32 @!p4 $0x1;
	[sflag:s0] =	ssyncset.done @p4 $0x0  }
0x119: {  	s10 =	simm.s32 @!p2 $0x7D00;
	[sflag:s0] =	ssyncadd.s32 @p4 $0xFFFFC000;
	s0 =	simm.s32 @!p2 $0x80  }
0x11a: {  	[tilespmem:s10], [sflag:$0x2] =	stream.indirect.gather @!p2 [hbm4b:s1+s0], $0x80, s9, s0, $0xb8;
	[tilespmem:$0x1F900] =	vst v63  }
0x11b: {  	_ =	swait.ge @!p4 [sflag:s3], $0x4000  }
0x11c: {  	s0 =	simm.s32 @!p4 $0x4;
	[sflag:s3] =	ssyncset.done @!p4 $0x0  }
0x11d: {  	s10 =	simm.s32 @!p4 $0x3D00;
	[sflag:s3] =	ssyncadd.s32 @!p4 $0xFFFFC000;
	s3 =	simm.s32 @!p4 $0x80  }
0x11e: {  	[spmem:s2] =	stream.indirect.scatter.add.f32 @!p4 [tilespmem:s10], [sflag:$0x4], $0x80, s29, s3, $0xb8;
	[tilespmem:$0x1F900] =	vst v63  }
0x11f: {  	p3 =	por p4, p4;
	p2 =	sge.s32 @!p4 s31, s28;
	_ =	swait.ge @!p4 [sflag:s0], $0x4000  }
0x120: {  	p2 =	por p2, p4;
	[sflag:s0] =	ssyncset.done @!p3 $0x0  }
0x121: {  	s3 =	simm.s32 @!p2 $0x80;
	s10 =	simm.s32 @!p2 $0x3D00;
	[sflag:s0] =	ssyncadd.s32 @!p3 $0xFFFFC000  }
0x122: {  	[tilespmem:s10], [sflag:$0x1] =	stream.indirect.gather @!p2 [hbm4b:s1+s3], $0x80, s9, s3, $0xb8;
	[tilespmem:$0x1F900] =	vst v63  }
.LBB2_19:
.Ltmp11:
0x123: {  	(pc) =	sbr.rel @p1 .LBB2_21-.Ltmp11, $1  }
0x124: {  	_ =	sdelay $0x3  }
0x125: {  	_ =	swait.ge [sflag:s21], $0x800  }
.Ltmp12:
0x126: {  	[sflag:s21] =	ssyncset.done $0x0;
	(pc) =	sbr.rel .LBB2_4-.Ltmp12, $4  }
0x127: {  	[sflag:s21] =	ssyncadd.s32 $0xFFFFF800  }
0x128: {  	_ =	swait.ge [sflag:s21], $0x800  }
0x129: {  	[sflag:s21] =	ssyncset.done $0x0  }
0x12a: {  	[sflag:s21] =	ssyncadd.s32 $0xFFFFF800  }
.LBB2_8:
.Ltmp13:
0x12b: {  	(pc) =	sbr.rel .LBB2_12-.Ltmp13, $2  }
0x12c: {  	_ =	sdelay $0x2  }
0x12d: {  	s0 =	simm.s32 $0x3140;
	p3 =	por $0x0, $0x0  }
.LBB2_13:
.Ltmp14:
0x12e: {  	(pc) =	sbr.rel .LBB2_18-.Ltmp14, $2  }
0x12f: {  	_ =	sdelay $0x2  }
0x130: {  	_ = 	snop  }
.LBB2_10:
.Ltmp15:
0x131: {  	(pc) =	sbr.rel .LBB2_12-.Ltmp15, $2  }
0x132: {  	_ =	sdelay $0x2  }
0x133: {  	s0 =	simm.s32 $0x3140  }
.LBB2_15:
.Ltmp16:
0x134: {  	(pc) =	sbr.rel .LBB2_18-.Ltmp16, $2  }
0x135: {  	_ =	sdelay $0x2  }
0x136: {  	s0 =	simm.s32 $0x2100;
	s9 =	simm.s32 $0x2180  }
.LBB2_22:
0x137: {  	_ =	sfence.sel $0x180000  }
0x138: {  	[bflag:$0x0] =	sbarrier.arrive $0xFFFF  }
0x139: {  	_ =	strace $0x9000004A  }
0x13a: {  	s0 =	stileid.u32;
	[bflag:$0x2] =	sbarrier.arrive $0xFFFF  }
0x13b: {  	p0 =	sne.s32 s0, $0x0;
	s0 =	rddreg [dreg:$0x3]  }
0x13c: {  	s0 =	sadd.s32 @!p0 $0x100000, s0  }
0x13d: {  	[sflag:s0] =	ssyncadd.tile.s32 @!p0 $0x1;
	_ =	shalt  }
.Lfunc_end2:
_tile_overlayer_lowered:
.L_overlay_start_2:
0x13e: {  	(tag) =	ssettag $0x2  }
0x13f: {  	s0 =	rddreg [dreg:$0x0];
	s2 =	stileid.u32  }
0x140: {  	s1 =	rddreg [dreg:$0x1];
	p0 =	sne.s32 s2, $0x0  }
0x141: {  	s3 =	rddreg [dreg:$0x2];
	[bflag:$0x3] =	sbarrier.arrive $0xFFFF;
	s2 =	simm.s32 @!p0 $0x1C04  }
0x142: {  	[timem:s3], [sflag:s2] =	dma.local @!p0 [hbm:s0], s1  }
0x143: {  	s0 =	simm.s32 @!p0 $0x4  }
0x144: {  	_ =	swait.ge @!p0 [sflag:s0], s1  }
0x145: {  	s1 =	ssub.s32 @!p0 $0x0, s1;
	[sflag:s0] =	ssyncset.done @!p0 $0x0  }
0x146: {  	[sflag:s0] =	ssyncadd.s32 @!p0 s1  }
0x147: {  	[bflag:$0x3] =	sbarrier.arrive $0xFFFF  }
0x148: {  	_ =	shalt  }

</sc_bundles>
